<compile_context>
chip_gen: v7x
topology: tpu7x:2x2x1
jax: 0.10.2.dev20260603
libtpu: 0.0.44.dev20260713+nightly
codegen_flags: <defaults>
</compile_context>

<pallas_src>
import functools

import numpy as np
import jax
import jax.numpy as jnp
from jax import lax
from jax.experimental import pallas as pl
from jax.experimental.pallas import tpu as pltpu
from jax.experimental.pallas import tpu_sc as plsc

T, D, H, DH = 2048, 768, 12, 64
E, C, F = 64, 64, 1536
NSLOT = E * C
V = 32000

_NC, _NS, _L = 2, 16, 16
_NW = _NC * _NS

_F32 = jnp.float32


def _pe_table():
    pos = np.arange(T)[:, None].astype(np.float64)
    i = np.arange(D // 2)[None, :].astype(np.float64)
    ang = pos / np.power(10000.0, 2.0 * i / D)
    pe = np.zeros((T, D), dtype=np.float32)
    pe[:, 0::2] = np.sin(ang)
    pe[:, 1::2] = np.cos(ang)
    return pe


_PE = _pe_table()



def _sc_mesh():
    return plsc.VectorSubcoreMesh(
        core_axis_name="c", subcore_axis_name="s",
        num_cores=_NC, num_subcores=_NS)


def _sc_row_gather(table, idx, nrows):
    bpw = nrows // _NW
    d = table.shape[1]

    @functools.partial(
        pl.kernel, mesh=_sc_mesh(),
        compiler_params=pltpu.CompilerParams(needs_layout_passes=False),
        out_type=jax.ShapeDtypeStruct((nrows, d), _F32),
        scratch_types=[
            pltpu.VMEM((bpw,), jnp.int32),
            pltpu.VMEM((bpw, d), _F32),
            pltpu.SemaphoreType.DMA,
        ],
        name=f"sc_gather_{nrows}x{d}",
    )
    def k(table_hbm, idx_hbm, out_hbm, idx_v, rows_v, sem):
        wid = lax.axis_index("s") * _NC + lax.axis_index("c")
        base = wid * bpw
        pltpu.sync_copy(idx_hbm.at[pl.ds(base, bpw)], idx_v)
        pltpu.async_copy(table_hbm.at[idx_v], rows_v, sem).wait()
        pltpu.sync_copy(rows_v, out_hbm.at[pl.ds(base, bpw)])

    return k(table, idx)


def _sc_inv_scatter(slot):

    @functools.partial(
        pl.kernel, mesh=_sc_mesh(),
        compiler_params=pltpu.CompilerParams(needs_layout_passes=False),
        out_type=jax.ShapeDtypeStruct((NSLOT,), jnp.int32),
        scratch_types=[
            pltpu.VMEM((T,), jnp.int32),
            pltpu.VMEM((NSLOT,), jnp.int32),
        ],
        name="sc_inv_scatter",
    )
    def k(slot_hbm, out_hbm, slots_v, inv_v):
        wid = lax.axis_index("s") * _NC + lax.axis_index("c")

        @pl.when(wid == 0)
        def _():
            pltpu.sync_copy(slot_hbm, slots_v)

            def init(j, _):
                inv_v[pl.ds(j * _L, _L)] = (
                    (lax.iota(jnp.int32, 16) + j * _L) & (T - 1))
                return 0

            lax.fori_loop(0, NSLOT // _L, init, 0)

            def scat(i, _):
                sv = slots_v[pl.ds(i * _L, _L)]
                tv = lax.iota(jnp.int32, 16) + i * _L
                msk = sv < NSLOT
                plsc.store_scatter(
                    inv_v, [jnp.minimum(sv, NSLOT - 1)], tv, mask=msk)
                return 0

            lax.fori_loop(0, T // _L, scat, 0)
            pltpu.sync_copy(inv_v, out_hbm)

    return k(slot)



_BF = jnp.bfloat16


def _qkv_body(x0, pe, wq, bq, wk, bk, wv, bv, xo, qo, ko, vo):
    x = x0[...] + pe[...]
    xo[...] = x
    xb = x.astype(_BF)
    cT = (((0,), (1,)), ((), ()))
    qo[...] = ((lax.dot_general(wq[...].astype(_BF), xb, cT,
                                preferred_element_type=_F32)
                + bq[...]) * 0.125).astype(_BF)
    ko[...] = (lax.dot_general(wk[...].astype(_BF), xb, cT,
                               preferred_element_type=_F32)
               + bk[...]).astype(_BF)
    vo[...] = (lax.dot_general(wv[...].astype(_BF), xb, cT,
                               preferred_element_type=_F32)
               + bv[...]).astype(_BF)


def _qkv(x0, pe, wq, bq, wk, bk, wv, bv):
    return pl.pallas_call(
        _qkv_body,
        out_shape=[jax.ShapeDtypeStruct((T, D), _F32)]
        + [jax.ShapeDtypeStruct((D, T), _BF)] * 3,
    )(x0, pe, wq, bq, wk, bk, wv, bv)


def _attn_router_body(x, q, k, v, wo, bo, ln1s, ln1b, wr,
                      yo, slot_o, slotc_o, gate_o, z_o, acc):
    h = pl.program_id(0)

    @pl.when(h < H)
    def _():
        s = lax.dot_general(q[...], k[...], (((0,), (0,)), ((), ())),
                            preferred_element_type=_F32)
        e = jnp.exp(s)
        denom = jnp.sum(e, axis=-1, keepdims=True)
        oh = lax.dot_general(e.astype(_BF), v[...], (((1,), (1,)), ((), ())),
                             preferred_element_type=_F32) / denom
        contrib = jnp.dot(oh.astype(_BF), wo[...].astype(_BF),
                          preferred_element_type=_F32)

        @pl.when(h == 0)
        def _():
            acc[...] = contrib

        @pl.when(h != 0)
        def _():
            acc[...] += contrib

    @pl.when(h == H)
    def _():
        y = x[...] + acc[...] + bo[...]
        m = jnp.mean(y, axis=-1, keepdims=True)
        var = jnp.mean((y - m) ** 2, axis=-1, keepdims=True)
        y = (y - m) / jnp.sqrt(var + 1e-5) * ln1s[...] + ln1b[...]
        yo[...] = y
        logits = jnp.dot(y, wr[...], preferred_element_type=_F32)
        mx = jnp.max(logits, axis=-1, keepdims=True)
        ex = jnp.exp(logits - mx)
        se = jnp.sum(ex, axis=-1, keepdims=True)
        probs = ex / se
        pm = jnp.max(probs, axis=-1, keepdims=True)
        lane = lax.broadcasted_iota(jnp.int32, (T, E), 1)
        eidx = jnp.min(jnp.where(probs == pm, lane, E), axis=-1,
                       keepdims=True)
        mask = (lane == eidx).astype(_F32)
        tri = (lax.broadcasted_iota(jnp.int32, (T, T), 0)
               >= lax.broadcasted_iota(jnp.int32, (T, T), 1)).astype(_F32)
        cs = lax.dot_general(tri.astype(_BF), mask.astype(_BF),
                             (((1,), (0,)), ((), ())),
                             preferred_element_type=_F32)
        posi = jnp.sum(cs * mask, axis=-1, keepdims=True) - 1.0
        keep = posi < C
        slot = eidx * C + posi.astype(jnp.int32)
        slot_o[...] = jnp.where(keep, slot, NSLOT)
        tok = lax.broadcasted_iota(jnp.int32, (T, 1), 0)
        slotc_o[...] = jnp.where(keep, slot, tok)
        gate_o[...] = jnp.where(keep, pm, 0.0)
        lse = mx + jnp.log(se)
        z_o[...] = jnp.mean(lse ** 2, keepdims=True)


def _attn_router(x, q, k, v, wo, bo, ln1s, ln1b, wr):
    hcl = lambda h: (jnp.minimum(h, H - 1), 0)
    full = lambda h: (0, 0)
    return pl.pallas_call(
        _attn_router_body,
        grid=(H + 1,),
        in_specs=[
            pl.BlockSpec((T, D), full),
            pl.BlockSpec((DH, T), hcl),
            pl.BlockSpec((DH, T), hcl),
            pl.BlockSpec((DH, T), hcl),
            pl.BlockSpec((DH, D), hcl),
            pl.BlockSpec((1, D), full),
            pl.BlockSpec((1, D), full),
            pl.BlockSpec((1, D), full),
            pl.BlockSpec((D, E), full),
        ],
        out_specs=[
            pl.BlockSpec((T, D), full),
            pl.BlockSpec((T, 1), full),
            pl.BlockSpec((T, 1), full),
            pl.BlockSpec((T, 1), full),
            pl.BlockSpec((1, 1), full),
        ],
        out_shape=[
            jax.ShapeDtypeStruct((T, D), _F32),
            jax.ShapeDtypeStruct((T, 1), jnp.int32),
            jax.ShapeDtypeStruct((T, 1), jnp.int32),
            jax.ShapeDtypeStruct((T, 1), _F32),
            jax.ShapeDtypeStruct((1, 1), _F32),
        ],
        scratch_shapes=[pltpu.VMEM((T, D), _F32)],
        compiler_params=pltpu.CompilerParams(
            dimension_semantics=("arbitrary",),
            vmem_limit_bytes=120 * 1024 * 1024),
    )(x, q, k, v, wo, bo, ln1s, ln1b, wr)


def _expert_body(xin, w1, b1, w2, b2, res, out):
    del res
    hh = jax.nn.gelu(
        jnp.dot(xin[...], w1[0], preferred_element_type=_F32) + b1[0])
    out[...] = jnp.dot(hh, w2[0], preferred_element_type=_F32) + b2[0]


def _experts(exp_in, ew1, eb1, ew2, eb2, res):
    return pl.pallas_call(
        _expert_body,
        grid=(E,),
        in_specs=[
            pl.BlockSpec((C, D), lambda e: (e, 0)),
            pl.BlockSpec((1, D, F), lambda e: (e, 0, 0)),
            pl.BlockSpec((1, 1, F), lambda e: (e, 0, 0)),
            pl.BlockSpec((1, F, D), lambda e: (e, 0, 0)),
            pl.BlockSpec((1, 1, D), lambda e: (e, 0, 0)),
            pl.BlockSpec((8, 128), lambda e: (0, 0)),
        ],
        out_specs=pl.BlockSpec((C, D), lambda e: (e, 0)),
        out_shape=jax.ShapeDtypeStruct((NSLOT, D), _F32),
        compiler_params=pltpu.CompilerParams(
            dimension_semantics=("arbitrary",)),
    )(exp_in, ew1, eb1, ew2, eb2, res)


def _final_body(y, comb, gate, res, ln2s, ln2b, flns, flnb, out):
    z = y[...] + gate[...] * comb[...] + res[...]
    m2 = jnp.mean(z, axis=-1, keepdims=True)
    v2 = jnp.mean((z - m2) ** 2, axis=-1, keepdims=True)
    z = (z - m2) / jnp.sqrt(v2 + 1e-5) * ln2s[...] + ln2b[...]
    m3 = jnp.mean(z, axis=-1, keepdims=True)
    v3 = jnp.mean((z - m3) ** 2, axis=-1, keepdims=True)
    out[...] = (z - m3) / jnp.sqrt(v3 + 1e-5) * flns[...] + flnb[...]


def _final(y, comb, gate, res, ln2s, ln2b, flns, flnb):
    return pl.pallas_call(
        _final_body,
        out_shape=jax.ShapeDtypeStruct((T, D), _F32),
    )(y, comb, gate, res, ln2s, ln2b, flns, flnb)


def _resffn_body(y, rw1, rb1, rw2, rb2, res_o):
    hh = jax.nn.gelu(
        jnp.dot(y[...].astype(_BF), rw1[...].astype(_BF),
                preferred_element_type=_F32) + rb1[...])
    res_o[...] = jnp.dot(hh.astype(_BF), rw2[...].astype(_BF),
                         preferred_element_type=_F32) + rb2[...]


def _resffn(y, rw1, rb1, rw2, rb2):
    return pl.pallas_call(
        _resffn_body,
        out_shape=jax.ShapeDtypeStruct((T, D), _F32),
    )(y, rw1, rb1, rw2, rb2)



def kernel(input_ids, emb_table, wq, bq, wk, bk, wv, bv, wo, bo, ln1_s, ln1_b,
           wr, ew1, eb1, ew2, eb2, rw1, rb1, rw2, rb2, ln2_s, ln2_b,
           fln_s, fln_b):
    ids = input_ids.reshape(T)
    x0 = _sc_row_gather(emb_table, ids, T)
    pe = jnp.asarray(_PE)
    r2 = lambda a: a.reshape(1, -1)
    rc = lambda a: a.reshape(-1, 1)
    x, q, k, v = _qkv(x0, pe, wq, rc(bq), wk, rc(bk), wv, rc(bv))
    y, slot2, slotc2, gate2, z = _attn_router(x, q, k, v, wo, r2(bo),
                                              r2(ln1_s), r2(ln1_b), wr)
    res = _resffn(y, rw1, r2(rb1), rw2, r2(rb2))
    inv = _sc_inv_scatter(slot2.reshape(T))
    exp_in = _sc_row_gather(y, inv, NSLOT)
    exp_out = _experts(exp_in, ew1, eb1.reshape(E, 1, F), ew2,
                       eb2.reshape(E, 1, D), res)
    comb = _sc_row_gather(exp_out, slotc2.reshape(T), T)
    out = _final(y, comb, gate2, res, r2(ln2_s), r2(ln2_b),
                 r2(fln_s), r2(fln_b))
    return out.reshape(1, T, D), z[0, 0]

# --- scband reference (transcript-rebuilt; emitter-appended) ---
"""Pipeline reference for scband-balm-hybrid-mo-emodel-85392539779127 (READ-ONLY COPY).

The authoritative reference and input builder live on the scoring server;
editing this copy changes nothing except your own understanding.
"""

import jax, jax.numpy as jnp
import numpy as np

B, S, D, H, V = 1, 2048, 768, 12, 32000
E, C, F = 64, 64, 1536

def _sinusoid(s, d):
    pos = np.arange(s)[:, None].astype(np.float64)
    i = np.arange(d // 2)[None, :].astype(np.float64)
    ang = pos / np.power(10000.0, 2.0 * i / d)
    pe = np.zeros((s, d), dtype=np.float32)
    pe[:, 0::2] = np.sin(ang)
    pe[:, 1::2] = np.cos(ang)
    return jnp.asarray(pe)

def _ln(x, sc, b, eps=1e-5):
    m = jnp.mean(x, axis=-1, keepdims=True)
    v = jnp.var(x, axis=-1, keepdims=True)
    return (x - m) / jnp.sqrt(v + eps) * sc + b

def _mha(x, wq, bq, wk, bk, wv, bv, wo, bo):
    b, s, d = x.shape
    dh = d // H
    q = (x @ wq + bq).reshape(b, s, H, dh).transpose(0, 2, 1, 3)
    k = (x @ wk + bk).reshape(b, s, H, dh).transpose(0, 2, 1, 3)
    v = (x @ wv + bv).reshape(b, s, H, dh).transpose(0, 2, 1, 3)
    a = jax.nn.softmax(jnp.einsum('bhqd,bhkd->bhqk', q, k) / jnp.sqrt(dh), axis=-1)
    o = jnp.einsum('bhqk,bhkd->bhqd', a, v).transpose(0, 2, 1, 3).reshape(b, s, d)
    return o @ wo + bo

def _forward(input_ids, emb_table, wq, bq, wk, bk, wv, bv, wo, bo, ln1_s, ln1_b, wr, ew1, eb1, ew2, eb2, rw1, rb1, rw2, rb2, ln2_s, ln2_b, fln_s, fln_b):
    b, s = input_ids.shape
    x = jnp.take(emb_table, input_ids, axis=0)
    x = x + _sinusoid(s, D)[None, :, :]
    x = _ln(x + _mha(x, wq, bq, wk, bk, wv, bv, wo, bo), ln1_s, ln1_b)
    xf = x.reshape(-1, D)
    logits = (xf @ wr).astype(jnp.float32)
    probs = jax.nn.softmax(logits, axis=-1)
    eidx = jnp.argmax(probs, axis=-1)
    gate = jnp.take_along_axis(probs, eidx[:, None], axis=-1)[:, 0]
    mask = jax.nn.one_hot(eidx, E, dtype=xf.dtype)
    posi = jnp.cumsum(mask, axis=0) * mask - mask
    keep = mask * (posi < C).astype(xf.dtype)
    dispatch = keep[:, :, None] * jax.nn.one_hot(posi.astype(jnp.int32), C, dtype=xf.dtype)
    combine = gate[:, None, None] * dispatch
    exp_in = jnp.einsum('tec,td->ecd', dispatch, xf)
    hh = jax.nn.gelu(jnp.einsum('ecd,edf->ecf', exp_in, ew1) + eb1[:, None, :])
    exp_out = jnp.einsum('ecf,efd->ecd', hh, ew2) + eb2[:, None, :]
    moe = jnp.einsum('tec,ecd->td', combine, exp_out).reshape(b, s, D)
    res = jax.nn.gelu(x @ rw1 + rb1) @ rw2 + rb2
    x = _ln(x + moe + res, ln2_s, ln2_b)
    x = _ln(x, fln_s, fln_b)
    z_loss = jnp.mean(jax.nn.logsumexp(logits, axis=-1) ** 2)
    return x, z_loss

def setup_inputs(seed: int = 0):
    key = jax.random.key(seed)
    ks = jax.random.split(key, 16)
    def pr(k, shape):
        return jax.random.normal(k, shape, dtype=jnp.float32) * 0.02
    inp = {}
    inp['input_ids'] = jax.random.randint(ks[0], (B, S), 0, V, dtype=jnp.int32)
    inp['emb_table'] = pr(ks[1], (V, D))
    inp['wq'] = pr(ks[2], (D, D)); inp['bq'] = jnp.zeros((D,), jnp.float32)
    inp['wk'] = pr(ks[3], (D, D)); inp['bk'] = jnp.zeros((D,), jnp.float32)
    inp['wv'] = pr(ks[4], (D, D)); inp['bv'] = jnp.zeros((D,), jnp.float32)
    inp['wo'] = pr(ks[5], (D, D)); inp['bo'] = jnp.zeros((D,), jnp.float32)
    inp['ln1_s'] = jnp.ones((D,), jnp.float32); inp['ln1_b'] = jnp.zeros((D,), jnp.float32)
    inp['wr'] = pr(ks[6], (D, E))
    inp['ew1'] = pr(ks[7], (E, D, F)); inp['eb1'] = jnp.zeros((E, F), jnp.float32)
    inp['ew2'] = pr(ks[8], (E, F, D)); inp['eb2'] = jnp.zeros((E, D), jnp.float32)
    inp['rw1'] = pr(ks[9], (D, F)); inp['rb1'] = jnp.zeros((F,), jnp.float32)
    inp['rw2'] = pr(ks[10], (F, D)); inp['rb2'] = jnp.zeros((D,), jnp.float32)
    inp['ln2_s'] = jnp.ones((D,), jnp.float32); inp['ln2_b'] = jnp.zeros((D,), jnp.float32)
    inp['fln_s'] = jnp.ones((D,), jnp.float32); inp['fln_b'] = jnp.zeros((D,), jnp.float32)
    return inp

def reference(input_ids, emb_table, wq, bq, wk, bk, wv, bv, wo, bo, ln1_s, ln1_b, wr, ew1, eb1, ew2, eb2, rw1, rb1, rw2, rb2, ln2_s, ln2_b, fln_s, fln_b):
    return _forward(input_ids, emb_table, wq, bq, wk, bk, wv, bv, wo, bo, ln1_s, ln1_b, wr, ew1, eb1, ew2, eb2, rw1, rb1, rw2, rb2, ln2_s, ln2_b, fln_s, fln_b)

if __name__ == "__main__":
    import jax
    _d = setup_inputs()
    print(jax.jit(kernel)(*tuple(_d.values())))

</pallas_src>

<mosaic_0001>
#map = affine_map<(d0, d1) -> (0, 0)>
#map1 = affine_map<(d0, d1) -> (0)>
module attributes {stable_mosaic.version = 14 : i64} {
  func.func @sc_gather_2048x768(%arg0: i32, %arg1: i32, %arg2: memref<4096x768xf32, #tpu.memory_space<hbm>>, %arg3: memref<2048xi32, #tpu.memory_space<hbm>>, %arg4: memref<2048x768xf32, #tpu.memory_space<hbm>>, %arg5: memref<64xi32, #tpu.memory_space<vmem>>, %arg6: memref<64x768xf32, #tpu.memory_space<vmem>>, %arg7: memref<!tpu.dma_semaphore, #tpu.memory_space<semaphore_mem>>) attributes {dimension_semantics = [#tpu.dimension_semantics<core_parallel>, #tpu.dimension_semantics<subcore_parallel>], iteration_bounds = array<i64: 2, 16>, scalar_prefetch = 0 : i64, scratch_operands = 3 : i64, tpu.core_type = #tpu.core_type<sc_vector_subcore>, window_params = [{transform_indices = #map}, {transform_indices = #map1}, {transform_indices = #map}]} {
    %mul3A = arith.constant 2 : i32
    %mul3A_0 = arith.muli %arg1, %mul3A : i32
    %add3A = arith.addi %mul3A_0, %arg0 : i32
    %mul3A_1 = arith.constant 64 : i32
    %mul3A_2 = arith.muli %add3A, %mul3A_1 : i32
    "tpu.region"() ({
      %run_scoped3A = tpu.sem_alloc : memref<!tpu.dma_semaphore, #tpu.memory_space<semaphore_mem>>
      %dma_start3A_7 = tpu.memref_slice %arg3[%mul3A_2] : memref<2048xi32, #tpu.memory_space<hbm>> -> memref<64xi32, #tpu.memory_space<hbm>>
      %dma_start3A_8 = tpu.memref_slice %arg3[%mul3A_2] : memref<2048xi32, #tpu.memory_space<hbm>> -> memref<64xi32, #tpu.memory_space<hbm>>
      tpu.enqueue_dma source(%dma_start3A_8 : memref<64xi32, #tpu.memory_space<hbm>>) target(%arg5 : memref<64xi32, #tpu.memory_space<vmem>>) target_semaphore(%run_scoped3A : memref<!tpu.dma_semaphore, #tpu.memory_space<semaphore_mem>>)
      %dma_wait3A_9 = tpu.memref_slice %arg3[%mul3A_2] : memref<2048xi32, #tpu.memory_space<hbm>> -> memref<64xi32, #tpu.memory_space<hbm>>
      %dma_wait3A_10 = tpu.memref_slice %arg3[%mul3A_2] : memref<2048xi32, #tpu.memory_space<hbm>> -> memref<64xi32, #tpu.memory_space<hbm>>
      tpu.wait_dma2 semaphore(%run_scoped3A : memref<!tpu.dma_semaphore, #tpu.memory_space<semaphore_mem>>) src(%dma_wait3A_10 : memref<64xi32, #tpu.memory_space<hbm>>) dst(%arg5 : memref<64xi32, #tpu.memory_space<vmem>>)
      tpu.yield
    }) : () -> ()
    %dma_start3A = arith.constant 0 : i32
    %dma_start3A_3 = arith.constant 0 : i32
    %dma_start3A_4 = tpu.memref_slice %arg2[%dma_start3A, %dma_start3A_3] : memref<4096x768xf32, #tpu.memory_space<hbm>> -> memref<4096x768xf32, #tpu.memory_space<hbm>>
    tpu.enqueue_indirect_dma source(%dma_start3A_4 : memref<4096x768xf32, #tpu.memory_space<hbm>>) target(%arg6 : memref<64x768xf32, #tpu.memory_space<vmem>>) offsets(%arg5 : memref<64xi32, #tpu.memory_space<vmem>>) semaphore(%arg7 : memref<!tpu.dma_semaphore, #tpu.memory_space<semaphore_mem>>)
    %dma_wait3A = arith.constant 0 : i32
    %dma_wait3A_5 = arith.constant 0 : i32
    %dma_wait3A_6 = tpu.memref_slice %arg2[%dma_wait3A, %dma_wait3A_5] : memref<4096x768xf32, #tpu.memory_space<hbm>> -> memref<4096x768xf32, #tpu.memory_space<hbm>>
    tpu.wait_indirect_dma semaphore(%arg7 : memref<!tpu.dma_semaphore, #tpu.memory_space<semaphore_mem>>) src(%dma_wait3A_6 : memref<4096x768xf32, #tpu.memory_space<hbm>>) dst(%arg6 : memref<64x768xf32, #tpu.memory_space<vmem>>)
    "tpu.region"() ({
      %run_scoped3A = tpu.sem_alloc : memref<!tpu.dma_semaphore, #tpu.memory_space<semaphore_mem>>
      %dma_start3A_7 = arith.constant 0 : i32
      %dma_start3A_8 = tpu.memref_slice %arg4[%mul3A_2, %dma_start3A_7] : memref<2048x768xf32, #tpu.memory_space<hbm>> -> memref<64x768xf32, #tpu.memory_space<hbm>>
      %dma_start3A_9 = arith.constant 0 : i32
      %dma_start3A_10 = tpu.memref_slice %arg4[%mul3A_2, %dma_start3A_9] : memref<2048x768xf32, #tpu.memory_space<hbm>> -> memref<64x768xf32, #tpu.memory_space<hbm>>
      tpu.enqueue_dma source(%arg6 : memref<64x768xf32, #tpu.memory_space<vmem>>) target(%dma_start3A_10 : memref<64x768xf32, #tpu.memory_space<hbm>>) target_semaphore(%run_scoped3A : memref<!tpu.dma_semaphore, #tpu.memory_space<semaphore_mem>>)
      %dma_wait3A_11 = arith.constant 0 : i32
      %dma_wait3A_12 = tpu.memref_slice %arg4[%mul3A_2, %dma_wait3A_11] : memref<2048x768xf32, #tpu.memory_space<hbm>> -> memref<64x768xf32, #tpu.memory_space<hbm>>
      %dma_wait3A_13 = arith.constant 0 : i32
      %dma_wait3A_14 = tpu.memref_slice %arg4[%mul3A_2, %dma_wait3A_13] : memref<2048x768xf32, #tpu.memory_space<hbm>> -> memref<64x768xf32, #tpu.memory_space<hbm>>
      tpu.wait_dma2 semaphore(%run_scoped3A : memref<!tpu.dma_semaphore, #tpu.memory_space<semaphore_mem>>) src(%arg6 : memref<64x768xf32, #tpu.memory_space<vmem>>) dst(%dma_wait3A_14 : memref<64x768xf32, #tpu.memory_space<hbm>>)
      tpu.yield
    }) : () -> ()
    return
  }
}

#map = affine_map<(d0, d1) -> (0)>
module attributes {stable_mosaic.version = 14 : i64} {
  func.func @sc_inv_scatter(%arg0: i32, %arg1: i32, %arg2: memref<2048xi32, #tpu.memory_space<hbm>>, %arg3: memref<4096xi32, #tpu.memory_space<hbm>>, %arg4: memref<2048xi32, #tpu.memory_space<vmem>>, %arg5: memref<4096xi32, #tpu.memory_space<vmem>>) attributes {dimension_semantics = [#tpu.dimension_semantics<core_parallel>, #tpu.dimension_semantics<subcore_parallel>], iteration_bounds = array<i64: 2, 16>, scalar_prefetch = 0 : i64, scratch_operands = 2 : i64, tpu.core_type = #tpu.core_type<sc_vector_subcore>, window_params = [{transform_indices = #map}, {transform_indices = #map}]} {
    %mul3A = arith.constant 2 : i32
    %mul3A_0 = arith.muli %arg1, %mul3A : i32
    %add3A = arith.addi %mul3A_0, %arg0 : i32
    %eq3A = arith.constant 0 : i32
    %eq3A_1 = arith.cmpi eq, %add3A, %eq3A : i32
    %convert_element_type3A = arith.extui %eq3A_1 : i1 to i32
    %cond3A = arith.constant 0 : i32
    %cond3A_2 = arith.cmpi ne, %convert_element_type3A, %cond3A : i32
    scf.if %cond3A_2 {
      "tpu.region"() ({
        %run_scoped3A = tpu.sem_alloc : memref<!tpu.dma_semaphore, #tpu.memory_space<semaphore_mem>>
        tpu.enqueue_dma source(%arg2 : memref<2048xi32, #tpu.memory_space<hbm>>) target(%arg4 : memref<2048xi32, #tpu.memory_space<vmem>>) target_semaphore(%run_scoped3A : memref<!tpu.dma_semaphore, #tpu.memory_space<semaphore_mem>>)
        tpu.wait_dma2 semaphore(%run_scoped3A : memref<!tpu.dma_semaphore, #tpu.memory_space<semaphore_mem>>) src(%arg2 : memref<2048xi32, #tpu.memory_space<hbm>>) dst(%arg4 : memref<2048xi32, #tpu.memory_space<vmem>>)
        tpu.yield
      }) : () -> ()
      %scan3A = arith.constant 0 : i32
      %scan3A_3 = arith.constant 0 : i32
      %scan3A_4 = arith.constant 256 : i32
      %scan3A_5 = arith.addi %scan3A_3, %scan3A_4 : i32
      %scan3A_6 = arith.constant 1 : i32
      %scan3A_7 = scf.for %scan3A_16 = %scan3A_3 to %scan3A_5 step %scan3A_6 iter_args(%scan3A_17 = %scan3A) -> (i32)  : i32 {
        %iota3A = tpu.iota {dimensions = array<i32: 0>} : vector<16xi32>
        %mul3A_18 = arith.constant 16 : i32
        %mul3A_19 = arith.muli %scan3A_16, %mul3A_18 : i32
        %add3A_20 = vector.broadcast %mul3A_19 : i32 to vector<16xi32>
        %add3A_21 = arith.addi %iota3A, %add3A_20 : vector<16xi32>
        %and3A = arith.constant 2047 : i32
        %and3A_22 = vector.broadcast %and3A : i32 to vector<16xi32>
        %and3A_23 = arith.andi %add3A_21, %and3A_22 : vector<16xi32>
        %mul3A_24 = arith.constant 16 : i32
        %mul3A_25 = arith.muli %scan3A_16, %mul3A_24 : i32
        %swap3A = arith.index_cast %mul3A_25 : i32 to index
        %swap3A_26 = tpu.vector_load %arg5[%swap3A] {strides = array<i32>} : memref<4096xi32, #tpu.memory_space<vmem>>, vector<16xi32>,
        tpu.vector_store %arg5[%swap3A], %and3A_23 {strides = array<i32>} : memref<4096xi32, #tpu.memory_space<vmem>>, vector<16xi32>,
        %scan3A_27 = arith.constant 0 : i32
        scf.yield %scan3A_27 : i32
      }
      %scan3A_8 = arith.constant 256 : i32
      %scan3A_9 = arith.constant 0 : i32
      %scan3A_10 = arith.constant 0 : i32
      %scan3A_11 = arith.constant 128 : i32
      %scan3A_12 = arith.addi %scan3A_10, %scan3A_11 : i32
      %scan3A_13 = arith.constant 1 : i32
      %scan3A_14 = scf.for %scan3A_16 = %scan3A_10 to %scan3A_12 step %scan3A_13 iter_args(%scan3A_17 = %scan3A_9) -> (i32)  : i32 {
        %mul3A_18 = arith.constant 16 : i32
        %mul3A_19 = arith.muli %scan3A_16, %mul3A_18 : i32
        %get3A = arith.index_cast %mul3A_19 : i32 to index
        %get3A_20 = tpu.vector_load %arg4[%get3A] {strides = array<i32>} : memref<2048xi32, #tpu.memory_space<vmem>>, vector<16xi32>,
        %iota3A = tpu.iota {dimensions = array<i32: 0>} : vector<16xi32>
        %mul3A_21 = arith.constant 16 : i32
        %mul3A_22 = arith.muli %scan3A_16, %mul3A_21 : i32
        %add3A_23 = vector.broadcast %mul3A_22 : i32 to vector<16xi32>
        %add3A_24 = arith.addi %iota3A, %add3A_23 : vector<16xi32>
        %lt3A = arith.constant 4096 : i32
        %lt3A_25 = vector.broadcast %lt3A : i32 to vector<16xi32>
        %lt3A_26 = arith.cmpi slt, %get3A_20, %lt3A_25 : vector<16xi32>
        %min3A = arith.constant 4095 : i32
        %min3A_27 = vector.broadcast %min3A : i32 to vector<16xi32>
        %min3A_28 = arith.minsi %get3A_20, %min3A_27 : vector<16xi32>
        tpu.vector_store_idx %arg5[%min3A_28], %add3A_24 masked %lt3A_26 : memref<4096xi32, #tpu.memory_space<vmem>>[vector<16xi32>], vector<16xi32>, vector<16xi1>
        %scan3A_29 = arith.constant 0 : i32
        scf.yield %scan3A_29 : i32
      }
      %scan3A_15 = arith.constant 128 : i32
      "tpu.region"() ({
        %run_scoped3A = tpu.sem_alloc : memref<!tpu.dma_semaphore, #tpu.memory_space<semaphore_mem>>
        tpu.enqueue_dma source(%arg5 : memref<4096xi32, #tpu.memory_space<vmem>>) target(%arg3 : memref<4096xi32, #tpu.memory_space<hbm>>) target_semaphore(%run_scoped3A : memref<!tpu.dma_semaphore, #tpu.memory_space<semaphore_mem>>)
        tpu.wait_dma2 semaphore(%run_scoped3A : memref<!tpu.dma_semaphore, #tpu.memory_space<semaphore_mem>>) src(%arg5 : memref<4096xi32, #tpu.memory_space<vmem>>) dst(%arg3 : memref<4096xi32, #tpu.memory_space<hbm>>)
        tpu.yield
      }) : () -> ()
    } else {
    }
    return
  }
}

#map = affine_map<(d0, d1) -> (0, 0)>
#map1 = affine_map<(d0, d1) -> (0)>
module attributes {stable_mosaic.version = 14 : i64} {
  func.func @sc_gather_4096x768(%arg0: i32, %arg1: i32, %arg2: memref<2048x768xf32, #tpu.memory_space<hbm>>, %arg3: memref<4096xi32, #tpu.memory_space<hbm>>, %arg4: memref<4096x768xf32, #tpu.memory_space<hbm>>, %arg5: memref<128xi32, #tpu.memory_space<vmem>>, %arg6: memref<128x768xf32, #tpu.memory_space<vmem>>, %arg7: memref<!tpu.dma_semaphore, #tpu.memory_space<semaphore_mem>>) attributes {dimension_semantics = [#tpu.dimension_semantics<core_parallel>, #tpu.dimension_semantics<subcore_parallel>], iteration_bounds = array<i64: 2, 16>, scalar_prefetch = 0 : i64, scratch_operands = 3 : i64, tpu.core_type = #tpu.core_type<sc_vector_subcore>, window_params = [{transform_indices = #map}, {transform_indices = #map1}, {transform_indices = #map}]} {
    %mul3A = arith.constant 2 : i32
    %mul3A_0 = arith.muli %arg1, %mul3A : i32
    %add3A = arith.addi %mul3A_0, %arg0 : i32
    %mul3A_1 = arith.constant 128 : i32
    %mul3A_2 = arith.muli %add3A, %mul3A_1 : i32
    "tpu.region"() ({
      %run_scoped3A = tpu.sem_alloc : memref<!tpu.dma_semaphore, #tpu.memory_space<semaphore_mem>>
      %dma_start3A_7 = tpu.memref_slice %arg3[%mul3A_2] : memref<4096xi32, #tpu.memory_space<hbm>> -> memref<128xi32, #tpu.memory_space<hbm>>
      %dma_start3A_8 = tpu.memref_slice %arg3[%mul3A_2] : memref<4096xi32, #tpu.memory_space<hbm>> -> memref<128xi32, #tpu.memory_space<hbm>>
      tpu.enqueue_dma source(%dma_start3A_8 : memref<128xi32, #tpu.memory_space<hbm>>) target(%arg5 : memref<128xi32, #tpu.memory_space<vmem>>) target_semaphore(%run_scoped3A : memref<!tpu.dma_semaphore, #tpu.memory_space<semaphore_mem>>)
      %dma_wait3A_9 = tpu.memref_slice %arg3[%mul3A_2] : memref<4096xi32, #tpu.memory_space<hbm>> -> memref<128xi32, #tpu.memory_space<hbm>>
      %dma_wait3A_10 = tpu.memref_slice %arg3[%mul3A_2] : memref<4096xi32, #tpu.memory_space<hbm>> -> memref<128xi32, #tpu.memory_space<hbm>>
      tpu.wait_dma2 semaphore(%run_scoped3A : memref<!tpu.dma_semaphore, #tpu.memory_space<semaphore_mem>>) src(%dma_wait3A_10 : memref<128xi32, #tpu.memory_space<hbm>>) dst(%arg5 : memref<128xi32, #tpu.memory_space<vmem>>)
      tpu.yield
    }) : () -> ()
    %dma_start3A = arith.constant 0 : i32
    %dma_start3A_3 = arith.constant 0 : i32
    %dma_start3A_4 = tpu.memref_slice %arg2[%dma_start3A, %dma_start3A_3] : memref<2048x768xf32, #tpu.memory_space<hbm>> -> memref<2048x768xf32, #tpu.memory_space<hbm>>
    tpu.enqueue_indirect_dma source(%dma_start3A_4 : memref<2048x768xf32, #tpu.memory_space<hbm>>) target(%arg6 : memref<128x768xf32, #tpu.memory_space<vmem>>) offsets(%arg5 : memref<128xi32, #tpu.memory_space<vmem>>) semaphore(%arg7 : memref<!tpu.dma_semaphore, #tpu.memory_space<semaphore_mem>>)
    %dma_wait3A = arith.constant 0 : i32
    %dma_wait3A_5 = arith.constant 0 : i32
    %dma_wait3A_6 = tpu.memref_slice %arg2[%dma_wait3A, %dma_wait3A_5] : memref<2048x768xf32, #tpu.memory_space<hbm>> -> memref<2048x768xf32, #tpu.memory_space<hbm>>
    tpu.wait_indirect_dma semaphore(%arg7 : memref<!tpu.dma_semaphore, #tpu.memory_space<semaphore_mem>>) src(%dma_wait3A_6 : memref<2048x768xf32, #tpu.memory_space<hbm>>) dst(%arg6 : memref<128x768xf32, #tpu.memory_space<vmem>>)
    "tpu.region"() ({
      %run_scoped3A = tpu.sem_alloc : memref<!tpu.dma_semaphore, #tpu.memory_space<semaphore_mem>>
      %dma_start3A_7 = arith.constant 0 : i32
      %dma_start3A_8 = tpu.memref_slice %arg4[%mul3A_2, %dma_start3A_7] : memref<4096x768xf32, #tpu.memory_space<hbm>> -> memref<128x768xf32, #tpu.memory_space<hbm>>
      %dma_start3A_9 = arith.constant 0 : i32
      %dma_start3A_10 = tpu.memref_slice %arg4[%mul3A_2, %dma_start3A_9] : memref<4096x768xf32, #tpu.memory_space<hbm>> -> memref<128x768xf32, #tpu.memory_space<hbm>>
      tpu.enqueue_dma source(%arg6 : memref<128x768xf32, #tpu.memory_space<vmem>>) target(%dma_start3A_10 : memref<128x768xf32, #tpu.memory_space<hbm>>) target_semaphore(%run_scoped3A : memref<!tpu.dma_semaphore, #tpu.memory_space<semaphore_mem>>)
      %dma_wait3A_11 = arith.constant 0 : i32
      %dma_wait3A_12 = tpu.memref_slice %arg4[%mul3A_2, %dma_wait3A_11] : memref<4096x768xf32, #tpu.memory_space<hbm>> -> memref<128x768xf32, #tpu.memory_space<hbm>>
      %dma_wait3A_13 = arith.constant 0 : i32
      %dma_wait3A_14 = tpu.memref_slice %arg4[%mul3A_2, %dma_wait3A_13] : memref<4096x768xf32, #tpu.memory_space<hbm>> -> memref<128x768xf32, #tpu.memory_space<hbm>>
      tpu.wait_dma2 semaphore(%run_scoped3A : memref<!tpu.dma_semaphore, #tpu.memory_space<semaphore_mem>>) src(%arg6 : memref<128x768xf32, #tpu.memory_space<vmem>>) dst(%dma_wait3A_14 : memref<128x768xf32, #tpu.memory_space<hbm>>)
      tpu.yield
    }) : () -> ()
    return
  }
}

#map = affine_map<(d0, d1) -> (0, 0)>
#map1 = affine_map<(d0, d1) -> (0)>
module attributes {stable_mosaic.version = 14 : i64} {
  func.func @sc_gather_2048x768(%arg0: i32, %arg1: i32, %arg2: memref<32000x768xf32, #tpu.memory_space<hbm>>, %arg3: memref<2048xi32, #tpu.memory_space<hbm>>, %arg4: memref<2048x768xf32, #tpu.memory_space<hbm>>, %arg5: memref<64xi32, #tpu.memory_space<vmem>>, %arg6: memref<64x768xf32, #tpu.memory_space<vmem>>, %arg7: memref<!tpu.dma_semaphore, #tpu.memory_space<semaphore_mem>>) attributes {dimension_semantics = [#tpu.dimension_semantics<core_parallel>, #tpu.dimension_semantics<subcore_parallel>], iteration_bounds = array<i64: 2, 16>, scalar_prefetch = 0 : i64, scratch_operands = 3 : i64, tpu.core_type = #tpu.core_type<sc_vector_subcore>, window_params = [{transform_indices = #map}, {transform_indices = #map1}, {transform_indices = #map}]} {
    %mul3A = arith.constant 2 : i32
    %mul3A_0 = arith.muli %arg1, %mul3A : i32
    %add3A = arith.addi %mul3A_0, %arg0 : i32
    %mul3A_1 = arith.constant 64 : i32
    %mul3A_2 = arith.muli %add3A, %mul3A_1 : i32
    "tpu.region"() ({
      %run_scoped3A = tpu.sem_alloc : memref<!tpu.dma_semaphore, #tpu.memory_space<semaphore_mem>>
      %dma_start3A_7 = tpu.memref_slice %arg3[%mul3A_2] : memref<2048xi32, #tpu.memory_space<hbm>> -> memref<64xi32, #tpu.memory_space<hbm>>
      %dma_start3A_8 = tpu.memref_slice %arg3[%mul3A_2] : memref<2048xi32, #tpu.memory_space<hbm>> -> memref<64xi32, #tpu.memory_space<hbm>>
      tpu.enqueue_dma source(%dma_start3A_8 : memref<64xi32, #tpu.memory_space<hbm>>) target(%arg5 : memref<64xi32, #tpu.memory_space<vmem>>) target_semaphore(%run_scoped3A : memref<!tpu.dma_semaphore, #tpu.memory_space<semaphore_mem>>)
      %dma_wait3A_9 = tpu.memref_slice %arg3[%mul3A_2] : memref<2048xi32, #tpu.memory_space<hbm>> -> memref<64xi32, #tpu.memory_space<hbm>>
      %dma_wait3A_10 = tpu.memref_slice %arg3[%mul3A_2] : memref<2048xi32, #tpu.memory_space<hbm>> -> memref<64xi32, #tpu.memory_space<hbm>>
      tpu.wait_dma2 semaphore(%run_scoped3A : memref<!tpu.dma_semaphore, #tpu.memory_space<semaphore_mem>>) src(%dma_wait3A_10 : memref<64xi32, #tpu.memory_space<hbm>>) dst(%arg5 : memref<64xi32, #tpu.memory_space<vmem>>)
      tpu.yield
    }) : () -> ()
    %dma_start3A = arith.constant 0 : i32
    %dma_start3A_3 = arith.constant 0 : i32
    %dma_start3A_4 = tpu.memref_slice %arg2[%dma_start3A, %dma_start3A_3] : memref<32000x768xf32, #tpu.memory_space<hbm>> -> memref<32000x768xf32, #tpu.memory_space<hbm>>
    tpu.enqueue_indirect_dma source(%dma_start3A_4 : memref<32000x768xf32, #tpu.memory_space<hbm>>) target(%arg6 : memref<64x768xf32, #tpu.memory_space<vmem>>) offsets(%arg5 : memref<64xi32, #tpu.memory_space<vmem>>) semaphore(%arg7 : memref<!tpu.dma_semaphore, #tpu.memory_space<semaphore_mem>>)
    %dma_wait3A = arith.constant 0 : i32
    %dma_wait3A_5 = arith.constant 0 : i32
    %dma_wait3A_6 = tpu.memref_slice %arg2[%dma_wait3A, %dma_wait3A_5] : memref<32000x768xf32, #tpu.memory_space<hbm>> -> memref<32000x768xf32, #tpu.memory_space<hbm>>
    tpu.wait_indirect_dma semaphore(%arg7 : memref<!tpu.dma_semaphore, #tpu.memory_space<semaphore_mem>>) src(%dma_wait3A_6 : memref<32000x768xf32, #tpu.memory_space<hbm>>) dst(%arg6 : memref<64x768xf32, #tpu.memory_space<vmem>>)
    "tpu.region"() ({
      %run_scoped3A = tpu.sem_alloc : memref<!tpu.dma_semaphore, #tpu.memory_space<semaphore_mem>>
      %dma_start3A_7 = arith.constant 0 : i32
      %dma_start3A_8 = tpu.memref_slice %arg4[%mul3A_2, %dma_start3A_7] : memref<2048x768xf32, #tpu.memory_space<hbm>> -> memref<64x768xf32, #tpu.memory_space<hbm>>
      %dma_start3A_9 = arith.constant 0 : i32
      %dma_start3A_10 = tpu.memref_slice %arg4[%mul3A_2, %dma_start3A_9] : memref<2048x768xf32, #tpu.memory_space<hbm>> -> memref<64x768xf32, #tpu.memory_space<hbm>>
      tpu.enqueue_dma source(%arg6 : memref<64x768xf32, #tpu.memory_space<vmem>>) target(%dma_start3A_10 : memref<64x768xf32, #tpu.memory_space<hbm>>) target_semaphore(%run_scoped3A : memref<!tpu.dma_semaphore, #tpu.memory_space<semaphore_mem>>)
      %dma_wait3A_11 = arith.constant 0 : i32
      %dma_wait3A_12 = tpu.memref_slice %arg4[%mul3A_2, %dma_wait3A_11] : memref<2048x768xf32, #tpu.memory_space<hbm>> -> memref<64x768xf32, #tpu.memory_space<hbm>>
      %dma_wait3A_13 = arith.constant 0 : i32
      %dma_wait3A_14 = tpu.memref_slice %arg4[%mul3A_2, %dma_wait3A_13] : memref<2048x768xf32, #tpu.memory_space<hbm>> -> memref<64x768xf32, #tpu.memory_space<hbm>>
      tpu.wait_dma2 semaphore(%run_scoped3A : memref<!tpu.dma_semaphore, #tpu.memory_space<semaphore_mem>>) src(%arg6 : memref<64x768xf32, #tpu.memory_space<vmem>>) dst(%dma_wait3A_14 : memref<64x768xf32, #tpu.memory_space<hbm>>)
      tpu.yield
    }) : () -> ()
    return
  }
}

module attributes {stable_mosaic.version = 14 : i64} {
  func.func @_qkv_body(%arg0: memref<2048x768xf32, #tpu.memory_space<vmem>>, %arg1: memref<2048x768xf32, #tpu.memory_space<vmem>>, %arg2: memref<768x768xf32, #tpu.memory_space<vmem>>, %arg3: memref<768x1xf32, #tpu.memory_space<vmem>>, %arg4: memref<768x768xf32, #tpu.memory_space<vmem>>, %arg5: memref<768x1xf32, #tpu.memory_space<vmem>>, %arg6: memref<768x768xf32, #tpu.memory_space<vmem>>, %arg7: memref<768x1xf32, #tpu.memory_space<vmem>>, %arg8: memref<2048x768xf32, #tpu.memory_space<vmem>>, %arg9: memref<768x2048xbf16, #tpu.memory_space<vmem>>, %arg10: memref<768x2048xbf16, #tpu.memory_space<vmem>>, %arg11: memref<768x2048xbf16, #tpu.memory_space<vmem>>) attributes {dimension_semantics = [], scalar_prefetch = 0 : i64, scratch_operands = 0 : i64, tpu.core_type = #tpu.core_type<tc>} {
    %get3A = arith.constant 0 : index
    %get3A_0 = arith.constant 0 : index
    %get3A_1 = vector.load %arg0[%get3A, %get3A_0] : memref<2048x768xf32, #tpu.memory_space<vmem>>, vector<2048x768xf32>
    %get3A_2 = arith.constant 0 : index
    %get3A_3 = arith.constant 0 : index
    %get3A_4 = vector.load %arg1[%get3A_2, %get3A_3] : memref<2048x768xf32, #tpu.memory_space<vmem>>, vector<2048x768xf32>
    %add3A = arith.addf %get3A_1, %get3A_4 : vector<2048x768xf32>
    %swap3A = arith.constant 0 : index
    %swap3A_5 = arith.constant 0 : index
    %swap3A_6 = vector.load %arg8[%swap3A, %swap3A_5] : memref<2048x768xf32, #tpu.memory_space<vmem>>, vector<2048x768xf32>
    tpu.vector_store %arg8[%swap3A, %swap3A_5], %add3A {strides = array<i32>} : memref<2048x768xf32, #tpu.memory_space<vmem>>, vector<2048x768xf32>,
    %convert_element_type3A = arith.truncf %add3A : vector<2048x768xf32> to vector<2048x768xbf16>
    %get3A_7 = arith.constant 0 : index
    %get3A_8 = arith.constant 0 : index
    %get3A_9 = vector.load %arg2[%get3A_7, %get3A_8] : memref<768x768xf32, #tpu.memory_space<vmem>>, vector<768x768xf32>
    %convert_element_type3A_10 = arith.truncf %get3A_9 : vector<768x768xf32> to vector<768x768xbf16>
    %dot_general3A = arith.constant dense<0.000000e+00> : vector<768x2048xf32>
    %dot_general3A_11 = tpu.matmul %convert_element_type3A_10, %convert_element_type3A, %dot_general3A {dimension_numbers = #tpu.dot_dimension_numbers<[0], [1], [1], [0], [0, 1, 1, 0], [], []>, transpose_lhs_hint = false} : vector<768x768xbf16>, vector<2048x768xbf16>, vector<768x2048xf32> -> vector<768x2048xf32>
    %get3A_12 = arith.constant 0 : index
    %get3A_13 = arith.constant 0 : index
    %get3A_14 = vector.load %arg3[%get3A_12, %get3A_13] : memref<768x1xf32, #tpu.memory_space<vmem>>, vector<768x1xf32>
    %add3A_15 = vector.broadcast %get3A_14 : vector<768x1xf32> to vector<768x2048xf32>
    %add3A_16 = arith.addf %dot_general3A_11, %add3A_15 : vector<768x2048xf32>
    %mul3A = arith.constant 1.250000e-01 : f32
    %mul3A_17 = vector.broadcast %mul3A : f32 to vector<768x2048xf32>
    %mul3A_18 = arith.mulf %add3A_16, %mul3A_17 : vector<768x2048xf32>
    %convert_element_type3A_19 = arith.truncf %mul3A_18 : vector<768x2048xf32> to vector<768x2048xbf16>
    %swap3A_20 = arith.constant 0 : index
    %swap3A_21 = arith.constant 0 : index
    %swap3A_22 = vector.load %arg9[%swap3A_20, %swap3A_21] : memref<768x2048xbf16, #tpu.memory_space<vmem>>, vector<768x2048xbf16>
    tpu.vector_store %arg9[%swap3A_20, %swap3A_21], %convert_element_type3A_19 {strides = array<i32>} : memref<768x2048xbf16, #tpu.memory_space<vmem>>, vector<768x2048xbf16>,
    %get3A_23 = arith.constant 0 : index
    %get3A_24 = arith.constant 0 : index
    %get3A_25 = vector.load %arg4[%get3A_23, %get3A_24] : memref<768x768xf32, #tpu.memory_space<vmem>>, vector<768x768xf32>
    %convert_element_type3A_26 = arith.truncf %get3A_25 : vector<768x768xf32> to vector<768x768xbf16>
    %dot_general3A_27 = arith.constant dense<0.000000e+00> : vector<768x2048xf32>
    %dot_general3A_28 = tpu.matmul %convert_element_type3A_26, %convert_element_type3A, %dot_general3A_27 {dimension_numbers = #tpu.dot_dimension_numbers<[0], [1], [1], [0], [0, 1, 1, 0], [], []>, transpose_lhs_hint = false} : vector<768x768xbf16>, vector<2048x768xbf16>, vector<768x2048xf32> -> vector<768x2048xf32>
    %get3A_29 = arith.constant 0 : index
    %get3A_30 = arith.constant 0 : index
    %get3A_31 = vector.load %arg5[%get3A_29, %get3A_30] : memref<768x1xf32, #tpu.memory_space<vmem>>, vector<768x1xf32>
    %add3A_32 = vector.broadcast %get3A_31 : vector<768x1xf32> to vector<768x2048xf32>
    %add3A_33 = arith.addf %dot_general3A_28, %add3A_32 : vector<768x2048xf32>
    %convert_element_type3A_34 = arith.truncf %add3A_33 : vector<768x2048xf32> to vector<768x2048xbf16>
    %swap3A_35 = arith.constant 0 : index
    %swap3A_36 = arith.constant 0 : index
    %swap3A_37 = vector.load %arg10[%swap3A_35, %swap3A_36] : memref<768x2048xbf16, #tpu.memory_space<vmem>>, vector<768x2048xbf16>
    tpu.vector_store %arg10[%swap3A_35, %swap3A_36], %convert_element_type3A_34 {strides = array<i32>} : memref<768x2048xbf16, #tpu.memory_space<vmem>>, vector<768x2048xbf16>,
    %get3A_38 = arith.constant 0 : index
    %get3A_39 = arith.constant 0 : index
    %get3A_40 = vector.load %arg6[%get3A_38, %get3A_39] : memref<768x768xf32, #tpu.memory_space<vmem>>, vector<768x768xf32>
    %convert_element_type3A_41 = arith.truncf %get3A_40 : vector<768x768xf32> to vector<768x768xbf16>
    %dot_general3A_42 = arith.constant dense<0.000000e+00> : vector<768x2048xf32>
    %dot_general3A_43 = tpu.matmul %convert_element_type3A_41, %convert_element_type3A, %dot_general3A_42 {dimension_numbers = #tpu.dot_dimension_numbers<[0], [1], [1], [0], [0, 1, 1, 0], [], []>, transpose_lhs_hint = false} : vector<768x768xbf16>, vector<2048x768xbf16>, vector<768x2048xf32> -> vector<768x2048xf32>
    %get3A_44 = arith.constant 0 : index
    %get3A_45 = arith.constant 0 : index
    %get3A_46 = vector.load %arg7[%get3A_44, %get3A_45] : memref<768x1xf32, #tpu.memory_space<vmem>>, vector<768x1xf32>
    %add3A_47 = vector.broadcast %get3A_46 : vector<768x1xf32> to vector<768x2048xf32>
    %add3A_48 = arith.addf %dot_general3A_43, %add3A_47 : vector<768x2048xf32>
    %convert_element_type3A_49 = arith.truncf %add3A_48 : vector<768x2048xf32> to vector<768x2048xbf16>
    %swap3A_50 = arith.constant 0 : index
    %swap3A_51 = arith.constant 0 : index
    %swap3A_52 = vector.load %arg11[%swap3A_50, %swap3A_51] : memref<768x2048xbf16, #tpu.memory_space<vmem>>, vector<768x2048xbf16>
    tpu.vector_store %arg11[%swap3A_50, %swap3A_51], %convert_element_type3A_49 {strides = array<i32>} : memref<768x2048xbf16, #tpu.memory_space<vmem>>, vector<768x2048xbf16>,
    return
  }
}

module attributes {stable_mosaic.version = 14 : i64} {
  func.func @_attn_router_body(%arg0: i32, %arg1: memref<2048x768xf32, #tpu.memory_space<vmem>>, %arg2: memref<64x2048xbf16, #tpu.memory_space<vmem>>, %arg3: memref<64x2048xbf16, #tpu.memory_space<vmem>>, %arg4: memref<64x2048xbf16, #tpu.memory_space<vmem>>, %arg5: memref<64x768xf32, #tpu.memory_space<vmem>>, %arg6: memref<1x768xf32, #tpu.memory_space<vmem>>, %arg7: memref<1x768xf32, #tpu.memory_space<vmem>>, %arg8: memref<1x768xf32, #tpu.memory_space<vmem>>, %arg9: memref<768x64xf32, #tpu.memory_space<vmem>>, %arg10: memref<2048x768xf32, #tpu.memory_space<vmem>>, %arg11: memref<2048x1xi32, #tpu.memory_space<vmem>>, %arg12: memref<2048x1xi32, #tpu.memory_space<vmem>>, %arg13: memref<2048x1xf32, #tpu.memory_space<vmem>>, %arg14: memref<1x1xf32, #tpu.memory_space<vmem>>, %arg15: memref<2048x768xf32, #tpu.memory_space<vmem>>) attributes {dimension_semantics = [#tpu.dimension_semantics<arbitrary>], iteration_bounds = array<i64: 13>, scalar_prefetch = 0 : i64, scratch_operands = 1 : i64, tpu.core_type = #tpu.core_type<tc>, window_params = [{pipeline_mode = #tpu.pipeline_mode<synchronous>, transform_indices = @transform_0, window_bounds = array<i64: 2048, 768>}, {transform_indices = @transform_1, window_bounds = array<i64: 64, 2048>}, {transform_indices = @transform_2, window_bounds = array<i64: 64, 2048>}, {transform_indices = @transform_3, window_bounds = array<i64: 64, 2048>}, {transform_indices = @transform_4, window_bounds = array<i64: 64, 768>}, {pipeline_mode = #tpu.pipeline_mode<synchronous>, transform_indices = @transform_5, window_bounds = array<i64: 1, 768>}, {pipeline_mode = #tpu.pipeline_mode<synchronous>, transform_indices = @transform_6, window_bounds = array<i64: 1, 768>}, {pipeline_mode = #tpu.pipeline_mode<synchronous>, transform_indices = @transform_7, window_bounds = array<i64: 1, 768>}, {pipeline_mode = #tpu.pipeline_mode<synchronous>, transform_indices = @transform_8, window_bounds = array<i64: 768, 64>}, {pipeline_mode = #tpu.pipeline_mode<synchronous>, transform_indices = @transform_9, window_bounds = array<i64: 2048, 768>}, {pipeline_mode = #tpu.pipeline_mode<synchronous>, transform_indices = @transform_10, window_bounds = array<i64: 2048, 1>}, {pipeline_mode = #tpu.pipeline_mode<synchronous>, transform_indices = @transform_11, window_bounds = array<i64: 2048, 1>}, {pipeline_mode = #tpu.pipeline_mode<synchronous>, transform_indices = @transform_12, window_bounds = array<i64: 2048, 1>}, {pipeline_mode = #tpu.pipeline_mode<synchronous>, transform_indices = @transform_13, window_bounds = array<i64: 1, 1>}]} {
    %lt3A = arith.constant 12 : i32
    %lt3A_0 = arith.cmpi slt, %arg0, %lt3A : i32
    %convert_element_type3A = arith.extui %lt3A_0 : i1 to i32
    %cond3A = arith.constant 0 : i32
    %cond3A_1 = arith.cmpi ne, %convert_element_type3A, %cond3A : i32
    scf.if %cond3A_1 {
      %get3A = arith.constant 0 : index
      %get3A_6 = arith.constant 0 : index
      %get3A_7 = vector.load %arg2[%get3A, %get3A_6] : memref<64x2048xbf16, #tpu.memory_space<vmem>>, vector<64x2048xbf16>
      %get3A_8 = arith.constant 0 : index
      %get3A_9 = arith.constant 0 : index
      %get3A_10 = vector.load %arg3[%get3A_8, %get3A_9] : memref<64x2048xbf16, #tpu.memory_space<vmem>>, vector<64x2048xbf16>
      %dot_general3A = arith.constant dense<0.000000e+00> : vector<2048x2048xf32>
      %dot_general3A_11 = tpu.matmul %get3A_7, %get3A_10, %dot_general3A {dimension_numbers = #tpu.dot_dimension_numbers<[0], [0], [1], [1], [0, 1, 1, 1], [], []>, transpose_lhs_hint = false} : vector<64x2048xbf16>, vector<64x2048xbf16>, vector<2048x2048xf32> -> vector<2048x2048xf32>
      %exp3A = math.exp %dot_general3A_11 : vector<2048x2048xf32>
      %reduce_sum3A = arith.constant dense<0.000000e+00> : vector<2048xf32>
      %reduce_sum3A_12 = vector.multi_reduction <add>, %exp3A, %reduce_sum3A [1] : vector<2048x2048xf32> to vector<2048xf32>
      %broadcast_in_dim3A = vector.shape_cast %reduce_sum3A_12 : vector<2048xf32> to vector<2048x1xf32>
      %convert_element_type3A_13 = arith.truncf %exp3A : vector<2048x2048xf32> to vector<2048x2048xbf16>
      %get3A_14 = arith.constant 0 : index
      %get3A_15 = arith.constant 0 : index
      %get3A_16 = vector.load %arg4[%get3A_14, %get3A_15] : memref<64x2048xbf16, #tpu.memory_space<vmem>>, vector<64x2048xbf16>
      %dot_general3A_17 = arith.constant dense<0.000000e+00> : vector<2048x64xf32>
      %dot_general3A_18 = tpu.matmul %convert_element_type3A_13, %get3A_16, %dot_general3A_17 {dimension_numbers = #tpu.dot_dimension_numbers<[1], [1], [0], [0], [0, 0, 1, 0], [], []>, transpose_lhs_hint = false} : vector<2048x2048xbf16>, vector<64x2048xbf16>, vector<2048x64xf32> -> vector<2048x64xf32>
      %div3A = vector.broadcast %broadcast_in_dim3A : vector<2048x1xf32> to vector<2048x64xf32>
      %div3A_19 = arith.divf %dot_general3A_18, %div3A : vector<2048x64xf32>
      %convert_element_type3A_20 = arith.truncf %div3A_19 : vector<2048x64xf32> to vector<2048x64xbf16>
      %get3A_21 = arith.constant 0 : index
      %get3A_22 = arith.constant 0 : index
      %get3A_23 = vector.load %arg5[%get3A_21, %get3A_22] : memref<64x768xf32, #tpu.memory_space<vmem>>, vector<64x768xf32>
      %convert_element_type3A_24 = arith.truncf %get3A_23 : vector<64x768xf32> to vector<64x768xbf16>
      %dot_general3A_25 = arith.constant dense<0.000000e+00> : vector<2048x768xf32>
      %dot_general3A_26 = tpu.matmul %convert_element_type3A_20, %convert_element_type3A_24, %dot_general3A_25 {dimension_numbers = #tpu.dot_dimension_numbers<[1], [0], [0], [1], [0, 0, 1, 1], [], []>, transpose_lhs_hint = false} : vector<2048x64xbf16>, vector<64x768xbf16>, vector<2048x768xf32> -> vector<2048x768xf32>
      %eq3A_27 = arith.constant 0 : i32
      %eq3A_28 = arith.cmpi eq, %arg0, %eq3A_27 : i32
      %convert_element_type3A_29 = arith.extui %eq3A_28 : i1 to i32
      %cond3A_30 = arith.constant 0 : i32
      %cond3A_31 = arith.cmpi ne, %convert_element_type3A_29, %cond3A_30 : i32
      scf.if %cond3A_31 {
        %swap3A = arith.constant 0 : index
        %swap3A_36 = arith.constant 0 : index
        %swap3A_37 = vector.load %arg15[%swap3A, %swap3A_36] : memref<2048x768xf32, #tpu.memory_space<vmem>>, vector<2048x768xf32>
        tpu.vector_store %arg15[%swap3A, %swap3A_36], %dot_general3A_26 {strides = array<i32>} : memref<2048x768xf32, #tpu.memory_space<vmem>>, vector<2048x768xf32>,
      } else {
      }
      %ne3A = arith.constant 0 : i32
      %ne3A_32 = arith.cmpi ne, %arg0, %ne3A : i32
      %convert_element_type3A_33 = arith.extui %ne3A_32 : i1 to i32
      %cond3A_34 = arith.constant 0 : i32
      %cond3A_35 = arith.cmpi ne, %convert_element_type3A_33, %cond3A_34 : i32
      scf.if %cond3A_35 {
        %get3A_36 = arith.constant 0 : index
        %get3A_37 = arith.constant 0 : index
        %get3A_38 = vector.load %arg15[%get3A_36, %get3A_37] : memref<2048x768xf32, #tpu.memory_space<vmem>>, vector<2048x768xf32>
        %add3A = arith.addf %get3A_38, %dot_general3A_26 : vector<2048x768xf32>
        %swap3A = arith.constant 0 : index
        %swap3A_39 = arith.constant 0 : index
        %swap3A_40 = vector.load %arg15[%swap3A, %swap3A_39] : memref<2048x768xf32, #tpu.memory_space<vmem>>, vector<2048x768xf32>
        tpu.vector_store %arg15[%swap3A, %swap3A_39], %add3A {strides = array<i32>} : memref<2048x768xf32, #tpu.memory_space<vmem>>, vector<2048x768xf32>,
      } else {
      }
    } else {
    }
    %eq3A = arith.constant 12 : i32
    %eq3A_2 = arith.cmpi eq, %arg0, %eq3A : i32
    %convert_element_type3A_3 = arith.extui %eq3A_2 : i1 to i32
    %cond3A_4 = arith.constant 0 : i32
    %cond3A_5 = arith.cmpi ne, %convert_element_type3A_3, %cond3A_4 : i32
    scf.if %cond3A_5 {
      %get3A = arith.constant 0 : index
      %get3A_6 = arith.constant 0 : index
      %get3A_7 = vector.load %arg1[%get3A, %get3A_6] : memref<2048x768xf32, #tpu.memory_space<vmem>>, vector<2048x768xf32>
      %get3A_8 = arith.constant 0 : index
      %get3A_9 = arith.constant 0 : index
      %get3A_10 = vector.load %arg15[%get3A_8, %get3A_9] : memref<2048x768xf32, #tpu.memory_space<vmem>>, vector<2048x768xf32>
      %add3A = arith.addf %get3A_7, %get3A_10 : vector<2048x768xf32>
      %get3A_11 = arith.constant 0 : index
      %get3A_12 = arith.constant 0 : index
      %get3A_13 = vector.load %arg6[%get3A_11, %get3A_12] : memref<1x768xf32, #tpu.memory_space<vmem>>, vector<1x768xf32>
      %add3A_14 = vector.broadcast %get3A_13 : vector<1x768xf32> to vector<2048x768xf32>
      %add3A_15 = arith.addf %add3A, %add3A_14 : vector<2048x768xf32>
      %reduce_sum3A = arith.constant dense<0.000000e+00> : vector<2048xf32>
      %reduce_sum3A_16 = vector.multi_reduction <add>, %add3A_15, %reduce_sum3A [1] : vector<2048x768xf32> to vector<2048xf32>
      %broadcast_in_dim3A = vector.shape_cast %reduce_sum3A_16 : vector<2048xf32> to vector<2048x1xf32>
      %div3A = arith.constant 7.680000e+02 : f32
      %div3A_17 = vector.broadcast %div3A : f32 to vector<2048x1xf32>
      %div3A_18 = arith.divf %broadcast_in_dim3A, %div3A_17 : vector<2048x1xf32>
      %sub3A = vector.broadcast %div3A_18 : vector<2048x1xf32> to vector<2048x768xf32>
      %sub3A_19 = arith.subf %add3A_15, %sub3A : vector<2048x768xf32>
      %integer_pow3A = arith.mulf %sub3A_19, %sub3A_19 : vector<2048x768xf32>
      %reduce_sum3A_20 = arith.constant dense<0.000000e+00> : vector<2048xf32>
      %reduce_sum3A_21 = vector.multi_reduction <add>, %integer_pow3A, %reduce_sum3A_20 [1] : vector<2048x768xf32> to vector<2048xf32>
      %broadcast_in_dim3A_22 = vector.shape_cast %reduce_sum3A_21 : vector<2048xf32> to vector<2048x1xf32>
      %div3A_23 = arith.constant 7.680000e+02 : f32
      %div3A_24 = vector.broadcast %div3A_23 : f32 to vector<2048x1xf32>
      %div3A_25 = arith.divf %broadcast_in_dim3A_22, %div3A_24 : vector<2048x1xf32>
      %sub3A_26 = vector.broadcast %div3A_18 : vector<2048x1xf32> to vector<2048x768xf32>
      %sub3A_27 = arith.subf %add3A_15, %sub3A_26 : vector<2048x768xf32>
      %add3A_28 = arith.constant 9.99999974E-6 : f32
      %add3A_29 = vector.broadcast %add3A_28 : f32 to vector<2048x1xf32>
      %add3A_30 = arith.addf %div3A_25, %add3A_29 : vector<2048x1xf32>
      %sqrt3A = math.sqrt %add3A_30 : vector<2048x1xf32>
      %div3A_31 = vector.broadcast %sqrt3A : vector<2048x1xf32> to vector<2048x768xf32>
      %div3A_32 = arith.divf %sub3A_27, %div3A_31 : vector<2048x768xf32>
      %get3A_33 = arith.constant 0 : index
      %get3A_34 = arith.constant 0 : index
      %get3A_35 = vector.load %arg7[%get3A_33, %get3A_34] : memref<1x768xf32, #tpu.memory_space<vmem>>, vector<1x768xf32>
      %mul3A = vector.broadcast %get3A_35 : vector<1x768xf32> to vector<2048x768xf32>
      %mul3A_36 = arith.mulf %div3A_32, %mul3A : vector<2048x768xf32>
      %get3A_37 = arith.constant 0 : index
      %get3A_38 = arith.constant 0 : index
      %get3A_39 = vector.load %arg8[%get3A_37, %get3A_38] : memref<1x768xf32, #tpu.memory_space<vmem>>, vector<1x768xf32>
      %add3A_40 = vector.broadcast %get3A_39 : vector<1x768xf32> to vector<2048x768xf32>
      %add3A_41 = arith.addf %mul3A_36, %add3A_40 : vector<2048x768xf32>
      %swap3A = arith.constant 0 : index
      %swap3A_42 = arith.constant 0 : index
      %swap3A_43 = vector.load %arg10[%swap3A, %swap3A_42] : memref<2048x768xf32, #tpu.memory_space<vmem>>, vector<2048x768xf32>
      tpu.vector_store %arg10[%swap3A, %swap3A_42], %add3A_41 {strides = array<i32>} : memref<2048x768xf32, #tpu.memory_space<vmem>>, vector<2048x768xf32>,
      %get3A_44 = arith.constant 0 : index
      %get3A_45 = arith.constant 0 : index
      %get3A_46 = vector.load %arg9[%get3A_44, %get3A_45] : memref<768x64xf32, #tpu.memory_space<vmem>>, vector<768x64xf32>
      %dot_general3A = arith.constant dense<0.000000e+00> : vector<2048x64xf32>
      %dot_general3A_47 = tpu.matmul %add3A_41, %get3A_46, %dot_general3A {dimension_numbers = #tpu.dot_dimension_numbers<[1], [0], [0], [1], [0, 0, 1, 1], [], []>, transpose_lhs_hint = false} : vector<2048x768xf32>, vector<768x64xf32>, vector<2048x64xf32> -> vector<2048x64xf32>
      %reduce_max3A = arith.constant dense<0xFF800000> : vector<2048xf32>
      %reduce_max3A_48 = vector.multi_reduction <maximumf>, %dot_general3A_47, %reduce_max3A [1] : vector<2048x64xf32> to vector<2048xf32>
      %broadcast_in_dim3A_49 = vector.shape_cast %reduce_max3A_48 : vector<2048xf32> to vector<2048x1xf32>
      %sub3A_50 = vector.broadcast %broadcast_in_dim3A_49 : vector<2048x1xf32> to vector<2048x64xf32>
      %sub3A_51 = arith.subf %dot_general3A_47, %sub3A_50 : vector<2048x64xf32>
      %exp3A = math.exp %sub3A_51 : vector<2048x64xf32>
      %reduce_sum3A_52 = arith.constant dense<0.000000e+00> : vector<2048xf32>
      %reduce_sum3A_53 = vector.multi_reduction <add>, %exp3A, %reduce_sum3A_52 [1] : vector<2048x64xf32> to vector<2048xf32>
      %broadcast_in_dim3A_54 = vector.shape_cast %reduce_sum3A_53 : vector<2048xf32> to vector<2048x1xf32>
      %div3A_55 = vector.broadcast %broadcast_in_dim3A_54 : vector<2048x1xf32> to vector<2048x64xf32>
      %div3A_56 = arith.divf %exp3A, %div3A_55 : vector<2048x64xf32>
      %reduce_max3A_57 = arith.constant dense<0xFF800000> : vector<2048xf32>
      %reduce_max3A_58 = vector.multi_reduction <maximumf>, %div3A_56, %reduce_max3A_57 [1] : vector<2048x64xf32> to vector<2048xf32>
      %broadcast_in_dim3A_59 = vector.shape_cast %reduce_max3A_58 : vector<2048xf32> to vector<2048x1xf32>
      %iota3A = tpu.iota {dimensions = array<i32: 1>} : vector<2048x64xi32>
      %eq3A_60 = vector.broadcast %broadcast_in_dim3A_59 : vector<2048x1xf32> to vector<2048x64xf32>
      %eq3A_61 = arith.cmpf oeq, %div3A_56, %eq3A_60 : vector<2048x64xf32>
      %jit3A = arith.constant 64 : i32
      %broadcast_in_dim3A_62 = vector.broadcast %jit3A : i32 to vector<2048x64xi32>
      %select_n3A = arith.select %eq3A_61, %iota3A, %broadcast_in_dim3A_62 : vector<2048x64xi1>, vector<2048x64xi32>
      %reduce_min3A = arith.constant dense<2147483647> : vector<2048xi32>
      %reduce_min3A_63 = vector.multi_reduction <minsi>, %select_n3A, %reduce_min3A [1] : vector<2048x64xi32> to vector<2048xi32>
      %broadcast_in_dim3A_64 = vector.shape_cast %reduce_min3A_63 : vector<2048xi32> to vector<2048x1xi32>
      %eq3A_65 = vector.broadcast %broadcast_in_dim3A_64 : vector<2048x1xi32> to vector<2048x64xi32>
      %eq3A_66 = arith.cmpi eq, %iota3A, %eq3A_65 : vector<2048x64xi32>
      %convert_element_type3A_67 = arith.extui %eq3A_66 : vector<2048x64xi1> to vector<2048x64xi32>
      %convert_element_type3A_68 = arith.sitofp %convert_element_type3A_67 : vector<2048x64xi32> to vector<2048x64xf32>
      %iota3A_69 = tpu.iota {dimensions = array<i32: 0>} : vector<2048x2048xi32>
      %iota3A_70 = tpu.iota {dimensions = array<i32: 1>} : vector<2048x2048xi32>
      %ge3A = arith.cmpi sge, %iota3A_69, %iota3A_70 : vector<2048x2048xi32>
      %convert_element_type3A_71 = arith.extui %ge3A : vector<2048x2048xi1> to vector<2048x2048xi32>
      %convert_element_type3A_72 = arith.sitofp %convert_element_type3A_71 : vector<2048x2048xi32> to vector<2048x2048xf32>
      %convert_element_type3A_73 = arith.truncf %convert_element_type3A_72 : vector<2048x2048xf32> to vector<2048x2048xbf16>
      %convert_element_type3A_74 = arith.truncf %convert_element_type3A_68 : vector<2048x64xf32> to vector<2048x64xbf16>
      %dot_general3A_75 = arith.constant dense<0.000000e+00> : vector<2048x64xf32>
      %dot_general3A_76 = tpu.matmul %convert_element_type3A_73, %convert_element_type3A_74, %dot_general3A_75 {dimension_numbers = #tpu.dot_dimension_numbers<[1], [0], [0], [1], [0, 0, 1, 1], [], []>, transpose_lhs_hint = false} : vector<2048x2048xbf16>, vector<2048x64xbf16>, vector<2048x64xf32> -> vector<2048x64xf32>
      %mul3A_77 = arith.mulf %dot_general3A_76, %convert_element_type3A_68 : vector<2048x64xf32>
      %reduce_sum3A_78 = arith.constant dense<0.000000e+00> : vector<2048xf32>
      %reduce_sum3A_79 = vector.multi_reduction <add>, %mul3A_77, %reduce_sum3A_78 [1] : vector<2048x64xf32> to vector<2048xf32>
      %broadcast_in_dim3A_80 = vector.shape_cast %reduce_sum3A_79 : vector<2048xf32> to vector<2048x1xf32>
      %sub3A_81 = arith.constant 1.000000e+00 : f32
      %sub3A_82 = vector.broadcast %sub3A_81 : f32 to vector<2048x1xf32>
      %sub3A_83 = arith.subf %broadcast_in_dim3A_80, %sub3A_82 : vector<2048x1xf32>
      %lt3A_84 = arith.constant 6.400000e+01 : f32
      %lt3A_85 = vector.broadcast %lt3A_84 : f32 to vector<2048x1xf32>
      %lt3A_86 = arith.cmpf olt, %sub3A_83, %lt3A_85 : vector<2048x1xf32>
      %mul3A_87 = arith.constant 64 : i32
      %mul3A_88 = vector.broadcast %mul3A_87 : i32 to vector<2048x1xi32>
      %mul3A_89 = arith.muli %broadcast_in_dim3A_64, %mul3A_88 : vector<2048x1xi32>
      %convert_element_type3A_90 = arith.fptosi %sub3A_83 : vector<2048x1xf32> to vector<2048x1xi32>
      %add3A_91 = arith.addi %mul3A_89, %convert_element_type3A_90 : vector<2048x1xi32>
      %jit3A_92 = arith.constant 4096 : i32
      %broadcast_in_dim3A_93 = vector.broadcast %jit3A_92 : i32 to vector<2048x1xi32>
      %select_n3A_94 = arith.select %lt3A_86, %add3A_91, %broadcast_in_dim3A_93 : vector<2048x1xi1>, vector<2048x1xi32>
      %swap3A_95 = arith.constant 0 : index
      %swap3A_96 = arith.constant 0 : index
      %swap3A_97 = vector.load %arg11[%swap3A_95, %swap3A_96] : memref<2048x1xi32, #tpu.memory_space<vmem>>, vector<2048x1xi32>
      tpu.vector_store %arg11[%swap3A_95, %swap3A_96], %select_n3A_94 {strides = array<i32>} : memref<2048x1xi32, #tpu.memory_space<vmem>>, vector<2048x1xi32>,
      %iota3A_98 = tpu.iota {dimensions = array<i32: 0>} : vector<2048x1xi32>
      %select_n3A_99 = arith.select %lt3A_86, %add3A_91, %iota3A_98 : vector<2048x1xi1>, vector<2048x1xi32>
      %swap3A_100 = arith.constant 0 : index
      %swap3A_101 = arith.constant 0 : index
      %swap3A_102 = vector.load %arg12[%swap3A_100, %swap3A_101] : memref<2048x1xi32, #tpu.memory_space<vmem>>, vector<2048x1xi32>
      tpu.vector_store %arg12[%swap3A_100, %swap3A_101], %select_n3A_99 {strides = array<i32>} : memref<2048x1xi32, #tpu.memory_space<vmem>>, vector<2048x1xi32>,
      %jit3A_103 = arith.constant 0.000000e+00 : f32
      %broadcast_in_dim3A_104 = vector.broadcast %jit3A_103 : f32 to vector<2048x1xf32>
      %select_n3A_105 = arith.select %lt3A_86, %broadcast_in_dim3A_59, %broadcast_in_dim3A_104 : vector<2048x1xi1>, vector<2048x1xf32>
      %swap3A_106 = arith.constant 0 : index
      %swap3A_107 = arith.constant 0 : index
      %swap3A_108 = vector.load %arg13[%swap3A_106, %swap3A_107] : memref<2048x1xf32, #tpu.memory_space<vmem>>, vector<2048x1xf32>
      tpu.vector_store %arg13[%swap3A_106, %swap3A_107], %select_n3A_105 {strides = array<i32>} : memref<2048x1xf32, #tpu.memory_space<vmem>>, vector<2048x1xf32>,
      %log3A = math.log %broadcast_in_dim3A_54 : vector<2048x1xf32>
      %add3A_109 = arith.addf %broadcast_in_dim3A_49, %log3A : vector<2048x1xf32>
      %integer_pow3A_110 = arith.mulf %add3A_109, %add3A_109 : vector<2048x1xf32>
      %reduce_sum3A_111 = vector.shape_cast %integer_pow3A_110 : vector<2048x1xf32> to vector<1x2048x1xf32>
      %reduce_sum3A_112 = arith.constant dense<0.000000e+00> : vector<1xf32>
      %reduce_sum3A_113 = vector.multi_reduction <add>, %reduce_sum3A_111, %reduce_sum3A_112 [1, 2] : vector<1x2048x1xf32> to vector<1xf32>
      %reduce_sum3A_114 = vector.shape_cast %reduce_sum3A_113 : vector<1xf32> to vector<1x1x1xf32>
      %reduce_sum3A_115 = vector.extract %reduce_sum3A_114[0, 0, 0] : f32 from vector<1x1x1xf32>
      %broadcast_in_dim3A_116 = vector.broadcast %reduce_sum3A_115 : f32 to vector<1x1xf32>
      %div3A_117 = arith.constant 2.048000e+03 : f32
      %div3A_118 = vector.broadcast %div3A_117 : f32 to vector<1x1xf32>
      %div3A_119 = arith.divf %broadcast_in_dim3A_116, %div3A_118 : vector<1x1xf32>
      %swap3A_120 = arith.constant 0 : index
      %swap3A_121 = arith.constant 0 : index
      %swap3A_122 = vector.load %arg14[%swap3A_120, %swap3A_121] : memref<1x1xf32, #tpu.memory_space<vmem>>, vector<1x1xf32>
      tpu.vector_store %arg14[%swap3A_120, %swap3A_121], %div3A_119 {strides = array<i32>} : memref<1x1xf32, #tpu.memory_space<vmem>>, vector<1x1xf32>,
    } else {
    }
    return
  }
  func.func @transform_0(%arg0: i32) -> (i32, i32) {
    %c0_i32 = arith.constant 0 : i32
    %c0_i32_0 = arith.constant 0 : i32
    %c0_i32_1 = arith.constant 0 : i32
    return %c0_i32, %c0_i32_0 : i32, i32
  }
  func.func @transform_1(%arg0: i32) -> (i32, i32) {
    %min3A = arith.constant 11 : i32
    %min3A_0 = arith.minsi %arg0, %min3A : i32
    %c0_i32 = arith.constant 0 : i32
    %c0_i32_1 = arith.constant 0 : i32
    return %min3A_0, %c0_i32 : i32, i32
  }
  func.func @transform_2(%arg0: i32) -> (i32, i32) {
    %min3A = arith.constant 11 : i32
    %min3A_0 = arith.minsi %arg0, %min3A : i32
    %c0_i32 = arith.constant 0 : i32
    %c0_i32_1 = arith.constant 0 : i32
    return %min3A_0, %c0_i32 : i32, i32
  }
  func.func @transform_3(%arg0: i32) -> (i32, i32) {
    %min3A = arith.constant 11 : i32
    %min3A_0 = arith.minsi %arg0, %min3A : i32
    %c0_i32 = arith.constant 0 : i32
    %c0_i32_1 = arith.constant 0 : i32
    return %min3A_0, %c0_i32 : i32, i32
  }
  func.func @transform_4(%arg0: i32) -> (i32, i32) {
    %min3A = arith.constant 11 : i32
    %min3A_0 = arith.minsi %arg0, %min3A : i32
    %c0_i32 = arith.constant 0 : i32
    %c0_i32_1 = arith.constant 0 : i32
    return %min3A_0, %c0_i32 : i32, i32
  }
  func.func @transform_5(%arg0: i32) -> (i32, i32) {
    %c0_i32 = arith.constant 0 : i32
    %c0_i32_0 = arith.constant 0 : i32
    %c0_i32_1 = arith.constant 0 : i32
    return %c0_i32, %c0_i32_0 : i32, i32
  }
  func.func @transform_6(%arg0: i32) -> (i32, i32) {
    %c0_i32 = arith.constant 0 : i32
    %c0_i32_0 = arith.constant 0 : i32
    %c0_i32_1 = arith.constant 0 : i32
    return %c0_i32, %c0_i32_0 : i32, i32
  }
  func.func @transform_7(%arg0: i32) -> (i32, i32) {
    %c0_i32 = arith.constant 0 : i32
    %c0_i32_0 = arith.constant 0 : i32
    %c0_i32_1 = arith.constant 0 : i32
    return %c0_i32, %c0_i32_0 : i32, i32
  }
  func.func @transform_8(%arg0: i32) -> (i32, i32) {
    %c0_i32 = arith.constant 0 : i32
    %c0_i32_0 = arith.constant 0 : i32
    %c0_i32_1 = arith.constant 0 : i32
    return %c0_i32, %c0_i32_0 : i32, i32
  }
  func.func @transform_9(%arg0: i32) -> (i32, i32) {
    %c0_i32 = arith.constant 0 : i32
    %c0_i32_0 = arith.constant 0 : i32
    %c0_i32_1 = arith.constant 0 : i32
    return %c0_i32, %c0_i32_0 : i32, i32
  }
  func.func @transform_10(%arg0: i32) -> (i32, i32) {
    %c0_i32 = arith.constant 0 : i32
    %c0_i32_0 = arith.constant 0 : i32
    %c0_i32_1 = arith.constant 0 : i32
    return %c0_i32, %c0_i32_0 : i32, i32
  }
  func.func @transform_11(%arg0: i32) -> (i32, i32) {
    %c0_i32 = arith.constant 0 : i32
    %c0_i32_0 = arith.constant 0 : i32
    %c0_i32_1 = arith.constant 0 : i32
    return %c0_i32, %c0_i32_0 : i32, i32
  }
  func.func @transform_12(%arg0: i32) -> (i32, i32) {
    %c0_i32 = arith.constant 0 : i32
    %c0_i32_0 = arith.constant 0 : i32
    %c0_i32_1 = arith.constant 0 : i32
    return %c0_i32, %c0_i32_0 : i32, i32
  }
  func.func @transform_13(%arg0: i32) -> (i32, i32) {
    %c0_i32 = arith.constant 0 : i32
    %c0_i32_0 = arith.constant 0 : i32
    %c0_i32_1 = arith.constant 0 : i32
    return %c0_i32, %c0_i32_0 : i32, i32
  }
}

module attributes {stable_mosaic.version = 14 : i64} {
  func.func @_resffn_body(%arg0: memref<2048x768xf32, #tpu.memory_space<vmem>>, %arg1: memref<768x1536xf32, #tpu.memory_space<vmem>>, %arg2: memref<1x1536xf32, #tpu.memory_space<vmem>>, %arg3: memref<1536x768xf32, #tpu.memory_space<vmem>>, %arg4: memref<1x768xf32, #tpu.memory_space<vmem>>, %arg5: memref<2048x768xf32, #tpu.memory_space<vmem>>) attributes {dimension_semantics = [], scalar_prefetch = 0 : i64, scratch_operands = 0 : i64, tpu.core_type = #tpu.core_type<tc>} {
    %get3A = arith.constant 0 : index
    %get3A_0 = arith.constant 0 : index
    %get3A_1 = vector.load %arg0[%get3A, %get3A_0] : memref<2048x768xf32, #tpu.memory_space<vmem>>, vector<2048x768xf32>
    %convert_element_type3A = arith.truncf %get3A_1 : vector<2048x768xf32> to vector<2048x768xbf16>
    %get3A_2 = arith.constant 0 : index
    %get3A_3 = arith.constant 0 : index
    %get3A_4 = vector.load %arg1[%get3A_2, %get3A_3] : memref<768x1536xf32, #tpu.memory_space<vmem>>, vector<768x1536xf32>
    %convert_element_type3A_5 = arith.truncf %get3A_4 : vector<768x1536xf32> to vector<768x1536xbf16>
    %dot_general3A = arith.constant dense<0.000000e+00> : vector<2048x1536xf32>
    %dot_general3A_6 = tpu.matmul %convert_element_type3A, %convert_element_type3A_5, %dot_general3A {dimension_numbers = #tpu.dot_dimension_numbers<[1], [0], [0], [1], [0, 0, 1, 1], [], []>, transpose_lhs_hint = false} : vector<2048x768xbf16>, vector<768x1536xbf16>, vector<2048x1536xf32> -> vector<2048x1536xf32>
    %get3A_7 = arith.constant 0 : index
    %get3A_8 = arith.constant 0 : index
    %get3A_9 = vector.load %arg2[%get3A_7, %get3A_8] : memref<1x1536xf32, #tpu.memory_space<vmem>>, vector<1x1536xf32>
    %add3A = vector.broadcast %get3A_9 : vector<1x1536xf32> to vector<2048x1536xf32>
    %add3A_10 = arith.addf %dot_general3A_6, %add3A : vector<2048x1536xf32>
    %integer_pow3A = arith.mulf %add3A_10, %add3A_10 : vector<2048x1536xf32>
    %integer_pow3A_11 = arith.mulf %add3A_10, %integer_pow3A : vector<2048x1536xf32>
    %mul3A = arith.constant 4.471500e-02 : f32
    %mul3A_12 = vector.broadcast %mul3A : f32 to vector<2048x1536xf32>
    %mul3A_13 = arith.mulf %mul3A_12, %integer_pow3A_11 : vector<2048x1536xf32>
    %add3A_14 = arith.addf %add3A_10, %mul3A_13 : vector<2048x1536xf32>
    %mul3A_15 = arith.constant 0.797884583 : f32
    %mul3A_16 = vector.broadcast %mul3A_15 : f32 to vector<2048x1536xf32>
    %mul3A_17 = arith.mulf %mul3A_16, %add3A_14 : vector<2048x1536xf32>
    %tanh3A = math.tanh %mul3A_17 : vector<2048x1536xf32>
    %add3A_18 = arith.constant 1.000000e+00 : f32
    %add3A_19 = vector.broadcast %add3A_18 : f32 to vector<2048x1536xf32>
    %add3A_20 = arith.addf %add3A_19, %tanh3A : vector<2048x1536xf32>
    %mul3A_21 = arith.constant 5.000000e-01 : f32
    %mul3A_22 = vector.broadcast %mul3A_21 : f32 to vector<2048x1536xf32>
    %mul3A_23 = arith.mulf %mul3A_22, %add3A_20 : vector<2048x1536xf32>
    %mul3A_24 = arith.mulf %add3A_10, %mul3A_23 : vector<2048x1536xf32>
    %convert_element_type3A_25 = arith.truncf %mul3A_24 : vector<2048x1536xf32> to vector<2048x1536xbf16>
    %get3A_26 = arith.constant 0 : index
    %get3A_27 = arith.constant 0 : index
    %get3A_28 = vector.load %arg3[%get3A_26, %get3A_27] : memref<1536x768xf32, #tpu.memory_space<vmem>>, vector<1536x768xf32>
    %convert_element_type3A_29 = arith.truncf %get3A_28 : vector<1536x768xf32> to vector<1536x768xbf16>
    %dot_general3A_30 = arith.constant dense<0.000000e+00> : vector<2048x768xf32>
    %dot_general3A_31 = tpu.matmul %convert_element_type3A_25, %convert_element_type3A_29, %dot_general3A_30 {dimension_numbers = #tpu.dot_dimension_numbers<[1], [0], [0], [1], [0, 0, 1, 1], [], []>, transpose_lhs_hint = false} : vector<2048x1536xbf16>, vector<1536x768xbf16>, vector<2048x768xf32> -> vector<2048x768xf32>
    %get3A_32 = arith.constant 0 : index
    %get3A_33 = arith.constant 0 : index
    %get3A_34 = vector.load %arg4[%get3A_32, %get3A_33] : memref<1x768xf32, #tpu.memory_space<vmem>>, vector<1x768xf32>
    %add3A_35 = vector.broadcast %get3A_34 : vector<1x768xf32> to vector<2048x768xf32>
    %add3A_36 = arith.addf %dot_general3A_31, %add3A_35 : vector<2048x768xf32>
    %swap3A = arith.constant 0 : index
    %swap3A_37 = arith.constant 0 : index
    %swap3A_38 = vector.load %arg5[%swap3A, %swap3A_37] : memref<2048x768xf32, #tpu.memory_space<vmem>>, vector<2048x768xf32>
    tpu.vector_store %arg5[%swap3A, %swap3A_37], %add3A_36 {strides = array<i32>} : memref<2048x768xf32, #tpu.memory_space<vmem>>, vector<2048x768xf32>,
    return
  }
}

module attributes {stable_mosaic.version = 14 : i64} {
  func.func @_expert_body(%arg0: i32, %arg1: memref<64x768xf32, #tpu.memory_space<vmem>>, %arg2: memref<1x768x1536xf32, #tpu.memory_space<vmem>>, %arg3: memref<1x1x1536xf32, #tpu.memory_space<vmem>>, %arg4: memref<1x1536x768xf32, #tpu.memory_space<vmem>>, %arg5: memref<1x1x768xf32, #tpu.memory_space<vmem>>, %arg6: memref<8x128xf32, #tpu.memory_space<vmem>>, %arg7: memref<64x768xf32, #tpu.memory_space<vmem>>) attributes {dimension_semantics = [#tpu.dimension_semantics<arbitrary>], iteration_bounds = array<i64: 64>, scalar_prefetch = 0 : i64, scratch_operands = 0 : i64, tpu.core_type = #tpu.core_type<tc>, window_params = [{transform_indices = @transform_0, window_bounds = array<i64: 64, 768>}, {transform_indices = @transform_1, window_bounds = array<i64: 1, 768, 1536>}, {transform_indices = @transform_2, window_bounds = array<i64: 1, 1, 1536>}, {transform_indices = @transform_3, window_bounds = array<i64: 1, 1536, 768>}, {transform_indices = @transform_4, window_bounds = array<i64: 1, 1, 768>}, {transform_indices = @transform_5, window_bounds = array<i64: 8, 128>}, {transform_indices = @transform_6, window_bounds = array<i64: 64, 768>}]} {
    %get3A = arith.constant 0 : index
    %get3A_0 = arith.constant 0 : index
    %get3A_1 = vector.load %arg1[%get3A, %get3A_0] : memref<64x768xf32, #tpu.memory_space<vmem>>, vector<64x768xf32>
    %get3A_2 = arith.constant 0 : index
    %get3A_3 = arith.constant 0 : index
    %get3A_4 = arith.constant 0 : index
    %get3A_5 = vector.load %arg2[%get3A_2, %get3A_3, %get3A_4] : memref<1x768x1536xf32, #tpu.memory_space<vmem>>, vector<1x768x1536xf32>
    %get3A_6 = vector.shape_cast %get3A_5 : vector<1x768x1536xf32> to vector<768x1536xf32>
    %dot_general3A = arith.constant dense<0.000000e+00> : vector<64x1536xf32>
    %dot_general3A_7 = tpu.matmul %get3A_1, %get3A_6, %dot_general3A {dimension_numbers = #tpu.dot_dimension_numbers<[1], [0], [0], [1], [0, 0, 1, 1], [], []>, transpose_lhs_hint = false} : vector<64x768xf32>, vector<768x1536xf32>, vector<64x1536xf32> -> vector<64x1536xf32>
    %get3A_8 = arith.constant 0 : index
    %get3A_9 = arith.constant 0 : index
    %get3A_10 = arith.constant 0 : index
    %get3A_11 = vector.load %arg3[%get3A_8, %get3A_9, %get3A_10] : memref<1x1x1536xf32, #tpu.memory_space<vmem>>, vector<1x1x1536xf32>
    %get3A_12 = vector.shape_cast %get3A_11 : vector<1x1x1536xf32> to vector<1x1536xf32>
    %add3A = vector.broadcast %get3A_12 : vector<1x1536xf32> to vector<64x1536xf32>
    %add3A_13 = arith.addf %dot_general3A_7, %add3A : vector<64x1536xf32>
    %integer_pow3A = arith.mulf %add3A_13, %add3A_13 : vector<64x1536xf32>
    %integer_pow3A_14 = arith.mulf %add3A_13, %integer_pow3A : vector<64x1536xf32>
    %mul3A = arith.constant 4.471500e-02 : f32
    %mul3A_15 = vector.broadcast %mul3A : f32 to vector<64x1536xf32>
    %mul3A_16 = arith.mulf %mul3A_15, %integer_pow3A_14 : vector<64x1536xf32>
    %add3A_17 = arith.addf %add3A_13, %mul3A_16 : vector<64x1536xf32>
    %mul3A_18 = arith.constant 0.797884583 : f32
    %mul3A_19 = vector.broadcast %mul3A_18 : f32 to vector<64x1536xf32>
    %mul3A_20 = arith.mulf %mul3A_19, %add3A_17 : vector<64x1536xf32>
    %tanh3A = math.tanh %mul3A_20 : vector<64x1536xf32>
    %add3A_21 = arith.constant 1.000000e+00 : f32
    %add3A_22 = vector.broadcast %add3A_21 : f32 to vector<64x1536xf32>
    %add3A_23 = arith.addf %add3A_22, %tanh3A : vector<64x1536xf32>
    %mul3A_24 = arith.constant 5.000000e-01 : f32
    %mul3A_25 = vector.broadcast %mul3A_24 : f32 to vector<64x1536xf32>
    %mul3A_26 = arith.mulf %mul3A_25, %add3A_23 : vector<64x1536xf32>
    %mul3A_27 = arith.mulf %add3A_13, %mul3A_26 : vector<64x1536xf32>
    %get3A_28 = arith.constant 0 : index
    %get3A_29 = arith.constant 0 : index
    %get3A_30 = arith.constant 0 : index
    %get3A_31 = vector.load %arg4[%get3A_28, %get3A_29, %get3A_30] : memref<1x1536x768xf32, #tpu.memory_space<vmem>>, vector<1x1536x768xf32>
    %get3A_32 = vector.shape_cast %get3A_31 : vector<1x1536x768xf32> to vector<1536x768xf32>
    %dot_general3A_33 = arith.constant dense<0.000000e+00> : vector<64x768xf32>
    %dot_general3A_34 = tpu.matmul %mul3A_27, %get3A_32, %dot_general3A_33 {dimension_numbers = #tpu.dot_dimension_numbers<[1], [0], [0], [1], [0, 0, 1, 1], [], []>, transpose_lhs_hint = false} : vector<64x1536xf32>, vector<1536x768xf32>, vector<64x768xf32> -> vector<64x768xf32>
    %get3A_35 = arith.constant 0 : index
    %get3A_36 = arith.constant 0 : index
    %get3A_37 = arith.constant 0 : index
    %get3A_38 = vector.load %arg5[%get3A_35, %get3A_36, %get3A_37] : memref<1x1x768xf32, #tpu.memory_space<vmem>>, vector<1x1x768xf32>
    %get3A_39 = vector.shape_cast %get3A_38 : vector<1x1x768xf32> to vector<1x768xf32>
    %add3A_40 = vector.broadcast %get3A_39 : vector<1x768xf32> to vector<64x768xf32>
    %add3A_41 = arith.addf %dot_general3A_34, %add3A_40 : vector<64x768xf32>
    %swap3A = arith.constant 0 : index
    %swap3A_42 = arith.constant 0 : index
    %swap3A_43 = vector.load %arg7[%swap3A, %swap3A_42] : memref<64x768xf32, #tpu.memory_space<vmem>>, vector<64x768xf32>
    tpu.vector_store %arg7[%swap3A, %swap3A_42], %add3A_41 {strides = array<i32>} : memref<64x768xf32, #tpu.memory_space<vmem>>, vector<64x768xf32>,
    return
  }
  func.func @transform_0(%arg0: i32) -> (i32, i32) {
    %c0_i32 = arith.constant 0 : i32
    %c0_i32_0 = arith.constant 0 : i32
    return %arg0, %c0_i32 : i32, i32
  }
  func.func @transform_1(%arg0: i32) -> (i32, i32, i32) {
    %c0_i32 = arith.constant 0 : i32
    %c0_i32_0 = arith.constant 0 : i32
    %c0_i32_1 = arith.constant 0 : i32
    return %arg0, %c0_i32, %c0_i32_0 : i32, i32, i32
  }
  func.func @transform_2(%arg0: i32) -> (i32, i32, i32) {
    %c0_i32 = arith.constant 0 : i32
    %c0_i32_0 = arith.constant 0 : i32
    %c0_i32_1 = arith.constant 0 : i32
    return %arg0, %c0_i32, %c0_i32_0 : i32, i32, i32
  }
  func.func @transform_3(%arg0: i32) -> (i32, i32, i32) {
    %c0_i32 = arith.constant 0 : i32
    %c0_i32_0 = arith.constant 0 : i32
    %c0_i32_1 = arith.constant 0 : i32
    return %arg0, %c0_i32, %c0_i32_0 : i32, i32, i32
  }
  func.func @transform_4(%arg0: i32) -> (i32, i32, i32) {
    %c0_i32 = arith.constant 0 : i32
    %c0_i32_0 = arith.constant 0 : i32
    %c0_i32_1 = arith.constant 0 : i32
    return %arg0, %c0_i32, %c0_i32_0 : i32, i32, i32
  }
  func.func @transform_5(%arg0: i32) -> (i32, i32) {
    %c0_i32 = arith.constant 0 : i32
    %c0_i32_0 = arith.constant 0 : i32
    %c0_i32_1 = arith.constant 0 : i32
    return %c0_i32, %c0_i32_0 : i32, i32
  }
  func.func @transform_6(%arg0: i32) -> (i32, i32) {
    %c0_i32 = arith.constant 0 : i32
    %c0_i32_0 = arith.constant 0 : i32
    return %arg0, %c0_i32 : i32, i32
  }
}

module attributes {stable_mosaic.version = 14 : i64} {
  func.func @_final_body(%arg0: memref<2048x768xf32, #tpu.memory_space<vmem>>, %arg1: memref<2048x768xf32, #tpu.memory_space<vmem>>, %arg2: memref<2048x1xf32, #tpu.memory_space<vmem>>, %arg3: memref<2048x768xf32, #tpu.memory_space<vmem>>, %arg4: memref<1x768xf32, #tpu.memory_space<vmem>>, %arg5: memref<1x768xf32, #tpu.memory_space<vmem>>, %arg6: memref<1x768xf32, #tpu.memory_space<vmem>>, %arg7: memref<1x768xf32, #tpu.memory_space<vmem>>, %arg8: memref<2048x768xf32, #tpu.memory_space<vmem>>) attributes {dimension_semantics = [], scalar_prefetch = 0 : i64, scratch_operands = 0 : i64, tpu.core_type = #tpu.core_type<tc>} {
    %get3A = arith.constant 0 : index
    %get3A_0 = arith.constant 0 : index
    %get3A_1 = vector.load %arg0[%get3A, %get3A_0] : memref<2048x768xf32, #tpu.memory_space<vmem>>, vector<2048x768xf32>
    %get3A_2 = arith.constant 0 : index
    %get3A_3 = arith.constant 0 : index
    %get3A_4 = vector.load %arg2[%get3A_2, %get3A_3] : memref<2048x1xf32, #tpu.memory_space<vmem>>, vector<2048x1xf32>
    %get3A_5 = arith.constant 0 : index
    %get3A_6 = arith.constant 0 : index
    %get3A_7 = vector.load %arg1[%get3A_5, %get3A_6] : memref<2048x768xf32, #tpu.memory_space<vmem>>, vector<2048x768xf32>
    %mul3A = vector.broadcast %get3A_4 : vector<2048x1xf32> to vector<2048x768xf32>
    %mul3A_8 = arith.mulf %mul3A, %get3A_7 : vector<2048x768xf32>
    %add3A = arith.addf %get3A_1, %mul3A_8 : vector<2048x768xf32>
    %get3A_9 = arith.constant 0 : index
    %get3A_10 = arith.constant 0 : index
    %get3A_11 = vector.load %arg3[%get3A_9, %get3A_10] : memref<2048x768xf32, #tpu.memory_space<vmem>>, vector<2048x768xf32>
    %add3A_12 = arith.addf %add3A, %get3A_11 : vector<2048x768xf32>
    %reduce_sum3A = arith.constant dense<0.000000e+00> : vector<2048xf32>
    %reduce_sum3A_13 = vector.multi_reduction <add>, %add3A_12, %reduce_sum3A [1] : vector<2048x768xf32> to vector<2048xf32>
    %broadcast_in_dim3A = vector.shape_cast %reduce_sum3A_13 : vector<2048xf32> to vector<2048x1xf32>
    %div3A = arith.constant 7.680000e+02 : f32
    %div3A_14 = vector.broadcast %div3A : f32 to vector<2048x1xf32>
    %div3A_15 = arith.divf %broadcast_in_dim3A, %div3A_14 : vector<2048x1xf32>
    %sub3A = vector.broadcast %div3A_15 : vector<2048x1xf32> to vector<2048x768xf32>
    %sub3A_16 = arith.subf %add3A_12, %sub3A : vector<2048x768xf32>
    %integer_pow3A = arith.mulf %sub3A_16, %sub3A_16 : vector<2048x768xf32>
    %reduce_sum3A_17 = arith.constant dense<0.000000e+00> : vector<2048xf32>
    %reduce_sum3A_18 = vector.multi_reduction <add>, %integer_pow3A, %reduce_sum3A_17 [1] : vector<2048x768xf32> to vector<2048xf32>
    %broadcast_in_dim3A_19 = vector.shape_cast %reduce_sum3A_18 : vector<2048xf32> to vector<2048x1xf32>
    %div3A_20 = arith.constant 7.680000e+02 : f32
    %div3A_21 = vector.broadcast %div3A_20 : f32 to vector<2048x1xf32>
    %div3A_22 = arith.divf %broadcast_in_dim3A_19, %div3A_21 : vector<2048x1xf32>
    %sub3A_23 = vector.broadcast %div3A_15 : vector<2048x1xf32> to vector<2048x768xf32>
    %sub3A_24 = arith.subf %add3A_12, %sub3A_23 : vector<2048x768xf32>
    %add3A_25 = arith.constant 9.99999974E-6 : f32
    %add3A_26 = vector.broadcast %add3A_25 : f32 to vector<2048x1xf32>
    %add3A_27 = arith.addf %div3A_22, %add3A_26 : vector<2048x1xf32>
    %sqrt3A = math.sqrt %add3A_27 : vector<2048x1xf32>
    %div3A_28 = vector.broadcast %sqrt3A : vector<2048x1xf32> to vector<2048x768xf32>
    %div3A_29 = arith.divf %sub3A_24, %div3A_28 : vector<2048x768xf32>
    %get3A_30 = arith.constant 0 : index
    %get3A_31 = arith.constant 0 : index
    %get3A_32 = vector.load %arg4[%get3A_30, %get3A_31] : memref<1x768xf32, #tpu.memory_space<vmem>>, vector<1x768xf32>
    %mul3A_33 = vector.broadcast %get3A_32 : vector<1x768xf32> to vector<2048x768xf32>
    %mul3A_34 = arith.mulf %div3A_29, %mul3A_33 : vector<2048x768xf32>
    %get3A_35 = arith.constant 0 : index
    %get3A_36 = arith.constant 0 : index
    %get3A_37 = vector.load %arg5[%get3A_35, %get3A_36] : memref<1x768xf32, #tpu.memory_space<vmem>>, vector<1x768xf32>
    %add3A_38 = vector.broadcast %get3A_37 : vector<1x768xf32> to vector<2048x768xf32>
    %add3A_39 = arith.addf %mul3A_34, %add3A_38 : vector<2048x768xf32>
    %reduce_sum3A_40 = arith.constant dense<0.000000e+00> : vector<2048xf32>
    %reduce_sum3A_41 = vector.multi_reduction <add>, %add3A_39, %reduce_sum3A_40 [1] : vector<2048x768xf32> to vector<2048xf32>
    %broadcast_in_dim3A_42 = vector.shape_cast %reduce_sum3A_41 : vector<2048xf32> to vector<2048x1xf32>
    %div3A_43 = arith.constant 7.680000e+02 : f32
    %div3A_44 = vector.broadcast %div3A_43 : f32 to vector<2048x1xf32>
    %div3A_45 = arith.divf %broadcast_in_dim3A_42, %div3A_44 : vector<2048x1xf32>
    %sub3A_46 = vector.broadcast %div3A_45 : vector<2048x1xf32> to vector<2048x768xf32>
    %sub3A_47 = arith.subf %add3A_39, %sub3A_46 : vector<2048x768xf32>
    %integer_pow3A_48 = arith.mulf %sub3A_47, %sub3A_47 : vector<2048x768xf32>
    %reduce_sum3A_49 = arith.constant dense<0.000000e+00> : vector<2048xf32>
    %reduce_sum3A_50 = vector.multi_reduction <add>, %integer_pow3A_48, %reduce_sum3A_49 [1] : vector<2048x768xf32> to vector<2048xf32>
    %broadcast_in_dim3A_51 = vector.shape_cast %reduce_sum3A_50 : vector<2048xf32> to vector<2048x1xf32>
    %div3A_52 = arith.constant 7.680000e+02 : f32
    %div3A_53 = vector.broadcast %div3A_52 : f32 to vector<2048x1xf32>
    %div3A_54 = arith.divf %broadcast_in_dim3A_51, %div3A_53 : vector<2048x1xf32>
    %sub3A_55 = vector.broadcast %div3A_45 : vector<2048x1xf32> to vector<2048x768xf32>
    %sub3A_56 = arith.subf %add3A_39, %sub3A_55 : vector<2048x768xf32>
    %add3A_57 = arith.constant 9.99999974E-6 : f32
    %add3A_58 = vector.broadcast %add3A_57 : f32 to vector<2048x1xf32>
    %add3A_59 = arith.addf %div3A_54, %add3A_58 : vector<2048x1xf32>
    %sqrt3A_60 = math.sqrt %add3A_59 : vector<2048x1xf32>
    %div3A_61 = vector.broadcast %sqrt3A_60 : vector<2048x1xf32> to vector<2048x768xf32>
    %div3A_62 = arith.divf %sub3A_56, %div3A_61 : vector<2048x768xf32>
    %get3A_63 = arith.constant 0 : index
    %get3A_64 = arith.constant 0 : index
    %get3A_65 = vector.load %arg6[%get3A_63, %get3A_64] : memref<1x768xf32, #tpu.memory_space<vmem>>, vector<1x768xf32>
    %mul3A_66 = vector.broadcast %get3A_65 : vector<1x768xf32> to vector<2048x768xf32>
    %mul3A_67 = arith.mulf %div3A_62, %mul3A_66 : vector<2048x768xf32>
    %get3A_68 = arith.constant 0 : index
    %get3A_69 = arith.constant 0 : index
    %get3A_70 = vector.load %arg7[%get3A_68, %get3A_69] : memref<1x768xf32, #tpu.memory_space<vmem>>, vector<1x768xf32>
    %add3A_71 = vector.broadcast %get3A_70 : vector<1x768xf32> to vector<2048x768xf32>
    %add3A_72 = arith.addf %mul3A_67, %add3A_71 : vector<2048x768xf32>
    %swap3A = arith.constant 0 : index
    %swap3A_73 = arith.constant 0 : index
    %swap3A_74 = vector.load %arg8[%swap3A, %swap3A_73] : memref<2048x768xf32, #tpu.memory_space<vmem>>, vector<2048x768xf32>
    tpu.vector_store %arg8[%swap3A, %swap3A_73], %add3A_72 {strides = array<i32>} : memref<2048x768xf32, #tpu.memory_space<vmem>>, vector<2048x768xf32>,
    return
  }
}

</mosaic_0001>

<sc_bundles>
// kernel: sc_gather_2048x768.4.cloned.1.call-start
scs
__scs_entry_jumppad:
0x0: {  	(pc) =	sbr.rel $0x88, $3  }
0x1: {  	(tag) =	ssettag $0x0;
	lr =	simm.s32 $0x1  }
0x2: {  	[smem:$0x3F88] =	sst lr;
	_ =	strace $0xD0000000  }
0x3: {  	_ = 	snop  }
0x4: {  	_ = 	snop  }
0x5: {  	_ = 	snop  }
0x6: {  	_ = 	snop  }
0x7: {  	_ = 	snop  }
__scs_overlays_trampoline_lowered:
0x8: {  	[smem:$0x3F97] =	sst s0  }
0x9: {  	[smem:$0x3F98] =	sst s1  }
0xa: {  	[smem:$0x3F99] =	sst s2  }
0xb: {  	[smem:$0x3F9A] =	sst s3  }
0xc: {  	[smem:$0x3F9B] =	sst s4  }
0xd: {  	[smem:$0x3F9C] =	sst s5  }
0xe: {  	[smem:$0x3F9D] =	sst s6  }
0xf: {  	[smem:$0x3F9E] =	sst s7  }
0x10: {  	[smem:$0x3F9F] =	sst s8  }
0x11: {  	[smem:$0x3FA0] =	sst s9;
	s0 =	simm.s32 @!p0 $0x0  }
0x12: {  	s1 =	sld [smem:$0x3F86];
	s0 =	simm.s32 @p0 $0x1  }
0x13: {  	[smem:$0x3FA1] =	sst s0;
	s0 =	simm.s32 @!p1 $0x0  }
0x14: {  	s2 =	sld [smem:$0x3F85];
	s0 =	simm.s32 @p1 $0x1  }
0x15: {  	[smem:$0x3FA2] =	sst s0;
	s0 =	simm.s32 @!p2 $0x0  }
0x16: {  	s3 =	sld [smem:$0x3FDB];
	s0 =	simm.s32 @p2 $0x1  }
0x17: {  	s4 =	simm.s32 $0x1BF5;
	[smem:$0x3FA4] =	sst s0  }
0x18: {  	s0 =	sld [smem:$0x3F87];
	_ =	swait.ge [sflag:s4], $0x0  }
0x19: {  	s7 =	sld [smem:$0x3F88]  }
0x1a: {  	s8 =	sadd.s32 $0xFFFFE003, lr  }
0x1b: {  	s9 =	sadd.s32 $0xFFFFFEF7, lr;
	s5 =	simm.s32 $0xFFFFFFFF;
	p2 =	slt.u32 s8, $0xFFFFF086  }
0x1c: {  	p1 =	slt.u32 s9, $0xF7A;
	s5 =	simm.s32 @!p2 $0x0  }
0x1d: {  	s5 =	simm.s32 @p1 $0x1;
	p0 =	seq.s32 s7, s2  }
0x1e: {  	s7 =	smul.u32 @!p0 $0xF7A, s2;
	p2 =	seq.s32 @!p0 s5, $0x0  }
0x1f: {  	s9 =	smul.u32 $0xF7A, s1;
	s8 =	simm.s32 @!p0 $0x1BF5;
	p2 =	por !p2, p0  }
0x20: {  	[sflag:s8] =	ssyncset.s32 @!p0 $0xFFFFF086;
	s6 =	sadd.s32 @!p0 s3, s7;
	s7 =	simm.s32 @!p0 $0x108  }
0x21: {  	s3 =	sadd.s32 s3, s9;
	s6 =	sadd.s32 @!p0 $0x88, s6;
	s7 =	simm.s32 @p2 $0x1082  }
0x22: {  	[simem:s7], [sflag:s8] =	dma.local @!p0 [hbm:s6], $0xF7A  }
0x23: {  	s9 =	sor.u32 $0xD0000000, s2;
	s6 =	simm.s32 $0x108;
	_ =	swait.ge @!p0 [sflag:s8], $0x0  }
0x24: {  	s3 =	sadd.s32 $0x88, s3;
	s6 =	simm.s32 @!p1 $0x1082;
	[sflag:s4] =	ssyncset.s32 $0xFFFFF086  }
0x25: {  	[simem:s6], [sflag:s4] =	dma.local [hbm:s3], $0xF7A  }
0x26: {  	[smem:$0x3F88] =	sst s1;
	(tag) =	ssettag s2;
	_ =	strace s9  }
0x27: {  	s1 =	sld [smem:$0x3F98]  }
0x28: {  	s2 =	sld [smem:$0x3F99]  }
0x29: {  	s4 =	sld [smem:$0x3F9B]  }
0x2a: {  	p0 =	seq.s32 s5, $0x0;
	s5 =	sld [smem:$0x3F9C]  }
0x2b: {  	s6 =	sld [smem:$0x3F9D]  }
0x2c: {  	s7 =	sld [smem:$0x3F9E]  }
0x2d: {  	s3 =	simm.s32 $0x108;
	s8 =	sld [smem:$0x3F9F]  }
0x2e: {  	s3 =	simm.s32 @!p0 $0x1082;
	s9 =	sld [smem:$0x3FA0]  }
0x2f: {  	lr =	sadd.s32 s0, s3;
	s0 =	sld [smem:$0x3F97]  }
0x30: {  	s3 =	sld [smem:$0x3F9A]  }
0x31: {  	[smem:$0x3FA3] =	sst s10  }
0x32: {  	s10 =	sld [smem:$0x3FA1];
	_ =	sdelay $0x3  }
0x33: {  	p0 =	seq.s32 s10, $0x1;
	s10 =	sld [smem:$0x3FA3];
	_ =	sdelay $0x3  }
0x34: {  	[smem:$0x3FA3] =	sst s10  }
0x35: {  	s10 =	sld [smem:$0x3FA2];
	_ =	sdelay $0x3  }
0x36: {  	p1 =	seq.s32 s10, $0x1;
	s10 =	sld [smem:$0x3FA3];
	_ =	sdelay $0x3  }
0x37: {  	[smem:$0x3FA3] =	sst s10  }
0x38: {  	s10 =	sld [smem:$0x3FA4]  }
0x39: {  	_ = 	snop;
	(pc) =	sbr.ind lr, $3  }
0x3a: {  	_ = 	snop  }
0x3b: {  	_ = 	snop  }
0x3c: {  	p2 =	seq.s32 s10, $0x1;
	s10 =	sld [smem:$0x3FA3]  }
0x3d: {  	_ =	shalt  }
0x3e: {  	_ =	shalt  }
0x3f: {  	_ =	shalt  }
0x40: {  	_ =	shalt  }
0x41: {  	_ =	shalt  }
0x42: {  	_ =	shalt  }
0x43: {  	_ =	shalt  }
0x44: {  	_ =	shalt  }
0x45: {  	_ =	shalt  }
0x46: {  	_ =	shalt  }
0x47: {  	_ =	shalt  }
0x48: {  	_ =	shalt  }
0x49: {  	_ =	shalt  }
0x4a: {  	_ =	shalt  }
0x4b: {  	_ =	shalt  }
0x4c: {  	_ =	shalt  }
0x4d: {  	_ =	shalt  }
0x4e: {  	_ =	shalt  }
0x4f: {  	_ =	shalt  }
0x50: {  	_ =	shalt  }
0x51: {  	_ =	shalt  }
0x52: {  	_ =	shalt  }
0x53: {  	_ =	shalt  }
0x54: {  	_ =	shalt  }
0x55: {  	_ =	shalt  }
0x56: {  	_ =	shalt  }
0x57: {  	_ =	shalt  }
0x58: {  	_ =	shalt  }
0x59: {  	_ =	shalt  }
0x5a: {  	_ =	shalt  }
0x5b: {  	_ =	shalt  }
0x5c: {  	_ =	shalt  }
0x5d: {  	_ =	shalt  }
0x5e: {  	_ =	shalt  }
0x5f: {  	_ =	shalt  }
0x60: {  	_ =	shalt  }
0x61: {  	_ =	shalt  }
0x62: {  	_ =	shalt  }
0x63: {  	_ =	shalt  }
0x64: {  	_ =	shalt  }
0x65: {  	_ =	shalt  }
0x66: {  	_ =	shalt  }
0x67: {  	_ =	shalt  }
0x68: {  	_ =	shalt  }
0x69: {  	_ =	shalt  }
0x6a: {  	_ =	shalt  }
0x6b: {  	_ =	shalt  }
0x6c: {  	_ =	shalt  }
0x6d: {  	_ =	shalt  }
0x6e: {  	_ =	shalt  }
0x6f: {  	_ =	shalt  }
0x70: {  	_ =	shalt  }
0x71: {  	_ =	shalt  }
0x72: {  	_ =	shalt  }
0x73: {  	_ =	shalt  }
0x74: {  	_ =	shalt  }
0x75: {  	_ =	shalt  }
0x76: {  	_ =	shalt  }
0x77: {  	_ =	shalt  }
0x78: {  	_ =	shalt  }
0x79: {  	_ =	shalt  }
0x7a: {  	_ =	shalt  }
0x7b: {  	_ =	shalt  }
0x7c: {  	_ =	shalt  }
0x7d: {  	_ =	shalt  }
0x7e: {  	_ =	shalt  }
0x7f: {  	_ =	shalt  }
0x80: {  	_ =	shalt  }
0x81: {  	_ =	shalt  }
0x82: {  	_ =	shalt  }
0x83: {  	_ =	shalt  }
0x84: {  	_ =	shalt  }
0x85: {  	_ =	shalt  }
0x86: {  	_ =	shalt  }
0x87: {  	_ =	shalt  }
.Lfunc_end0:
.L_simem_size_0:
called_computation_lowered:
.L_overlay_start_0:
0x88: {  	s2 =	sld [smem:$0x3FD9]  }
0x89: {  	s3 =	sld [smem:$0x3FFE];
	_ =	sdelay $0x1  }
0x8a: {  	s1 =	srdreg.scid  }
0x8b: {  	s0 =	sand.u32 $0x1, s1  }
0x8c: {  	s17 =	sshll.u32 s0, $0xA;
	s2 =	sadd.s32 s3, s2  }
0x8d: {  	s2 =	sadd.s32 s2, s17  }
0x8e: {  	[smem:$0x3FAF] =	sst s2  }
0x8f: {  	_ = 	snop  }
0x90: {  	s2 =	sld [smem:$0x3FC9]  }
0x91: {  	s18 =	sld [smem:$0x3FC8];
	(tm) =	ssettm $0x1  }
0x92: {  	s4 =	sld [smem:$0x3FFB];
	_ =	sdelay $0x3  }
0x93: {  	_ =	strace s4  }
0x94: {  	s4 =	sld [smem:$0x3FFC];
	_ =	sdelay $0x3  }
0x95: {  	_ =	strace s4  }
0x96: {  	s4 =	sld [smem:$0x3FFD];
	_ =	sdelay $0x3  }
0x97: {  	_ =	strace s4  }
0x98: {  	_ =	strace $0x8FFFFFFF  }
0x99: {  	s19 =	sld [smem:$0x3FDB];
	_ =	sdelay $0x1  }
0x9a: {  	s5 =	simm.s32 $_scs_section_size  }
0x9b: {  	s6 =	simm.s32 $_size__tile_overlayer_lowered;
	s7 =	simm.s32 $_tile_overlayer_lowered  }
0x9c: {  	s22 =	simm.s32 $0x1BFF;
	s21 =	sshll.u32 s7, $0x1;
	s4 =	sadd.s32 s5, s19  }
0x9d: {  	s8 =	simm.s32 $0x0;
	s20 =	sshll.u32 s6, $0x1;
	s6 =	sadd.s32 s21, s4  }
0x9e: {  	[timem:s8], [sflag:s22] =	dma.local [hbm:s6], s20  }
0x9f: {  	_ =	swait.ge [sflag:s22], s20  }
0xa0: {  	s5 =	ssub.s32 $0x0, s20;
	[sflag:s22] =	ssyncset.done $0x0  }
0xa1: {  	[sflag:s22] =	ssyncadd.s32 s5;
	_ =	sdelay $0x1  }
0xa2: {  	s23 =	simm.s32 $0x1B8B  }
0xa3: {  	_ =	swait.ge [sflag:s23], $0x1  }
0xa4: {  	[sflag:s23] =	ssyncset.done $0x0  }
0xa5: {  	s25 =	simm.s32 $0x1B8E;
	s24 =	sld [smem:$0x3FFE];
	[sflag:s23] =	ssyncadd.s32 $0xFFFFFFFF  }
0xa6: {  	s26 =	simm.s32 $execute0_lowered;
	[smem:$0x3FD2] =	sst s25  }
0xa7: {  	s6 =	sshll.u32 s26, $0x1;
	_ =	strace $0x80000046;
	[dreg:$0x1] =	wrdreg $0xFFFFFFFF  }
0xa8: {  	s28 =	simm.s32 $_size_execute0_lowered;
	s4 =	sadd.s32 s4, s6;
	[dreg:$0x0] =	wrdreg $0x0  }
0xa9: {  	s6 =	sshll.u32 s28, $0x1;
	[dreg:$0x2] =	wrdreg s4  }
0xaa: {  	[dreg:$0x3] =	wrdreg s6  }
0xab: {  	[dreg:$0x4] =	wrdreg $0xC0  }
0xac: {  	_ =	task [dreg:s8], $0x5FFFF  }
0xad: {  	[dreg:$0x1] =	wrdreg $0xFFFFFFFF  }
0xae: {  	[dreg:$0x0] =	wrdreg $0x60  }
0xaf: {  	[dreg:$0x2] =	wrdreg s18  }
0xb0: {  	[dreg:$0x3] =	wrdreg s2  }
0xb1: {  	[dreg:$0x4] =	wrdreg s24  }
0xb2: {  	[dreg:$0x5] =	wrdreg $0x9  }
0xb3: {  	_ =	task.clear_ibuf [dreg:s8], $0x6FFFF;
	_ =	strace $0x90000046  }
0xb4: {  	s29 =	simm.s32 $0x9;
	_ =	strace $0x80000048  }
0xb5: {  	_ =	swait.ge [sflag:s29], $0x1  }
0xb6: {  	[sflag:s29] =	ssyncadd.s32 $0xFFFFFFFF  }
0xb7: {  	_ =	strace $0x90000048  }
0xb8: {  	_ =	sfence  }
0xb9: {  	s30 =	sld [smem:$0x0];
	_ =	sdelay $0x2  }
0xba: {  	s31 =	sshll.u32 s1, $0xD;
	s1 =	sshrl.u32 s1, $0x2  }
0xbb: {  	s3 =	sand.u32 $0x4000, s31;
	s1 =	sadd.s32 s1, s30  }
0xbc: {  	s0 =	sor.u32 s3, s0;
	s1 =	sshll.u32 s1, $0x11  }
0xbd: {  	s0 =	sor.u32 s1, s0  }
0xbe: {  	s0 =	sadd.s32 $0x8F2B, s0  }
0xbf: {  	[sflag:s0] =	ssyncadd.remote.s32 $0x1  }
0xc0: {  	_ =	sfence.sel $0xFFFF  }
0xc1: {  	[dreg:$0x0] =	wrdreg $0xFFFFFFFF;
	(pc) =	sbr.abs _section_cstart, $3  }
0xc2: {  	[dreg:$0x1] =	wrdreg $0xFFFFFFFF  }
0xc3: {  	_ =	task.clear_ibuf [dreg:s8], $0x2FFFF;
	_ =	strace $0x9FFFFFFF  }
0xc4: {  	(tm) =	ssettm $0x7FFFFFFF  }
0xc5: {  	_ =	shalt  }
tec
execute0_lowered:
.L_overlay_start_1:
0x0: {  	(tag) =	ssettag $0x1  }
0x1: {  	s1 =	rddreg [dreg:$0x0]  }
0x2: {  	s2 =	srdreg.scid;
	s4 =	rddreg [dreg:$0x1]  }
0x3: {  	s0 =	stileid.u32;
	s5 =	rddreg [dreg:$0x2];
	s3 =	simm.s32 $0x0  }
0x4: {  	s26 =	simm.s32 $0x880;
	s9 =	simm.s32 $0x1080;
	s10 =	simm.s32 $0x1880  }
0x5: {  	s11 =	simm.s32 $0x2080;
	s12 =	simm.s32 $0x2880;
	s13 =	simm.s32 $0x3080  }
0x6: {  	s14 =	simm.s32 $0x3880;
	s15 =	simm.s32 $0x4080;
	s16 =	simm.s32 $0x4880  }
0x7: {  	s17 =	simm.s32 $0x5080;
	s18 =	simm.s32 $0x5880;
	s19 =	simm.s32 $0x6080  }
0x8: {  	s20 =	simm.s32 $0x6880;
	s21 =	simm.s32 $0x7080;
	s22 =	simm.s32 $0x7880  }
0x9: {  	s23 =	simm.s32 $0x8080;
	s24 =	simm.s32 $0x8880;
	s28 =	simm.s32 $0xA080  }
0xa: {  	s29 =	simm.s32 $0xA880;
	s30 =	simm.s32 $0xB080;
	s31 =	simm.s32 $0xB880  }
0xb: {  	s2 =	sand.u32 $0x1, s2;
	s6 =	sshll.u32 s0, $0x4;
	[smem:$0x7FF] =	sst s3  }
0xc: {  	s7 =	sshll.u32 s2, $0x3;
	s2 =	ssub.s32 $0x2, s2;
	_ =	strace $0x80000047  }
0xd: {  	[dreg:$0x6] =	wrdreg s26;
	s26 =	simm.s32 $0x9880;
	s6 =	sor.u32 s7, s6  }
0xe: {  	s8 =	sshrl.u32 s2, $0x1;
	s7 =	smul.u32 $0x300, s6;
	s4 =	sadd.s32 s4, s6  }
0xf: {  	s2 =	ssub.s32 s2, s8;
	s8 =	simm.s32 $0x80;
	[dreg:$0x4] =	wrdreg s4  }
0x10: {  	v2 =	vlaneseq.u32;
	s4 =	sadd.s32 $0x100, s1;
	s6 =	smax.u32 s2, $0x1;
	s5 =	sadd.s32 s7, s5  }
0x11: {  	vm0 =	vmmov $0xffff;
	v1 =	vshrl.u32 v2, $0x3;
	s2 =	simm.s32 $0x1;
	s7 =	simm.s32 $0x2;
	s25 =	sadd.s32 $0x4A00, s5  }
0x12: {  	v0 =	vand.u32 $0x7, v2;
	v2 =	vor.u32 $0x8, v2;
	v1 =	vmul.u32 $0x8, v1;
	s5 =	sadd.s32 $0x200, s1;
	[dreg:$0x5] =	wrdreg s25;
	s25 =	simm.s32 $0x9080  }
.LBB2_1:
0x13: {  	s0 =	rddreg [dreg:$0x4]  }
0x14: {  	[tilespmem:s3], [sflag:$0x2] =	stream.linear.gather [hbm4b:s0+s3], $0x40, $0x38;
	[tilespmem:$0xC080] =	vst v63  }
0x15: {  	_ =	swait.ge [sflag:s7], $0x40  }
0x16: {  	[sflag:s7] =	ssyncset.done $0x0  }
0x17: {  	[sflag:s7] =	ssyncadd.s32 $0xFFFFFFC0  }
0x18: {  	v3 =	vld [tilespmem:$0x0];
	_ =	sdelay $0x4  }
0x19: {  	v4 =	vshrl.u32 v3, $0x3  }
0x1a: {  	v4 =	vmul.u32 $0x30, v4  }
0x1b: {  	v3 =	vand.u32 $0x7, v3  }
0x1c: {  	v3 =	vor.u32 v3, v4  }
0x1d: {  	v4 =	vperm.xlane v3, v0;
	_ =	sdelay $0x1  }
0x1e: {  	v4 =	vadd.s32 v1, v4;
	_ =	sdelay $0x3  }
0x1f: {  	v3 =	vperm.xlane v3, v2  }
0x20: {  	[tilespmem:s8], [sflag:$0x1] =	stream.indirect_vreg.gather [hbm4b:s1+s3], $0x80, v4, vm0, $0xb8;
	[tilespmem:$0xC080] =	vst v63  }
0x21: {  	s0 =	rddreg [dreg:$0x6];
	v3 =	vadd.s32 v1, v3  }
0x22: {  	[tilespmem:s0], [sflag:$0x1] =	stream.indirect_vreg.gather [hbm4b:s4+s3], $0x80, v4, vm0, $0xb8;
	[tilespmem:$0xC080] =	vst v63  }
0x23: {  	_ = 	snop  }
0x24: {  	[tilespmem:s9], [sflag:$0x1] =	stream.indirect_vreg.gather [hbm4b:s5+s3], $0x80, v4, vm0, $0xb8;
	[tilespmem:$0xC080] =	vst v63  }
0x25: {  	_ = 	snop  }
0x26: {  	[tilespmem:s10], [sflag:$0x1] =	stream.indirect_vreg.gather [hbm4b:s1+s3], $0x80, v3, vm0, $0xb8;
	[tilespmem:$0xC080] =	vst v63  }
0x27: {  	_ = 	snop  }
0x28: {  	[tilespmem:s11], [sflag:$0x1] =	stream.indirect_vreg.gather [hbm4b:s4+s3], $0x80, v3, vm0, $0xb8;
	[tilespmem:$0xC080] =	vst v63  }
0x29: {  	_ = 	snop  }
0x2a: {  	[tilespmem:s12], [sflag:$0x1] =	stream.indirect_vreg.gather [hbm4b:s5+s3], $0x80, v3, vm0, $0xb8;
	[tilespmem:$0xC080] =	vst v63  }
0x2b: {  	v3 =	vld [tilespmem:$0x10];
	_ =	sdelay $0x4  }
0x2c: {  	v61 =	vshrl.u32 v3, $0x3  }
0x2d: {  	v4 =	vmul.u32 $0x30, v61  }
0x2e: {  	v3 =	vand.u32 $0x7, v3  }
0x2f: {  	v3 =	vor.u32 v3, v4  }
0x30: {  	v4 =	vperm.xlane v3, v0;
	_ =	sdelay $0x1  }
0x31: {  	v4 =	vadd.s32 v1, v4;
	_ =	sdelay $0x3  }
0x32: {  	v3 =	vperm.xlane v3, v2  }
0x33: {  	[tilespmem:s13], [sflag:$0x1] =	stream.indirect_vreg.gather [hbm4b:s1+s3], $0x80, v4, vm0, $0xb8;
	[tilespmem:$0xC080] =	vst v63  }
0x34: {  	v3 =	vadd.s32 v1, v3  }
0x35: {  	[tilespmem:s14], [sflag:$0x1] =	stream.indirect_vreg.gather [hbm4b:s4+s3], $0x80, v4, vm0, $0xb8;
	[tilespmem:$0xC080] =	vst v63  }
0x36: {  	_ = 	snop  }
0x37: {  	[tilespmem:s15], [sflag:$0x1] =	stream.indirect_vreg.gather [hbm4b:s5+s3], $0x80, v4, vm0, $0xb8;
	[tilespmem:$0xC080] =	vst v63  }
0x38: {  	_ = 	snop  }
0x39: {  	[tilespmem:s16], [sflag:$0x1] =	stream.indirect_vreg.gather [hbm4b:s1+s3], $0x80, v3, vm0, $0xb8;
	[tilespmem:$0xC080] =	vst v63  }
0x3a: {  	_ = 	snop  }
0x3b: {  	[tilespmem:s17], [sflag:$0x1] =	stream.indirect_vreg.gather [hbm4b:s4+s3], $0x80, v3, vm0, $0xb8;
	[tilespmem:$0xC080] =	vst v63  }
0x3c: {  	_ = 	snop  }
0x3d: {  	[tilespmem:s18], [sflag:$0x1] =	stream.indirect_vreg.gather [hbm4b:s5+s3], $0x80, v3, vm0, $0xb8;
	[tilespmem:$0xC080] =	vst v63  }
0x3e: {  	v3 =	vld [tilespmem:$0x20];
	_ =	sdelay $0x4  }
0x3f: {  	v62 =	vshrl.u32 v3, $0x3  }
0x40: {  	v4 =	vmul.u32 $0x30, v62  }
0x41: {  	v3 =	vand.u32 $0x7, v3  }
0x42: {  	v3 =	vor.u32 v3, v4  }
0x43: {  	v4 =	vperm.xlane v3, v0;
	_ =	sdelay $0x1  }
0x44: {  	v4 =	vadd.s32 v1, v4;
	_ =	sdelay $0x3  }
0x45: {  	v3 =	vperm.xlane v3, v2  }
0x46: {  	[tilespmem:s19], [sflag:$0x1] =	stream.indirect_vreg.gather [hbm4b:s1+s3], $0x80, v4, vm0, $0xb8;
	[tilespmem:$0xC080] =	vst v63  }
0x47: {  	v3 =	vadd.s32 v1, v3  }
0x48: {  	[tilespmem:s20], [sflag:$0x1] =	stream.indirect_vreg.gather [hbm4b:s4+s3], $0x80, v4, vm0, $0xb8;
	[tilespmem:$0xC080] =	vst v63  }
0x49: {  	_ = 	snop  }
0x4a: {  	[tilespmem:s21], [sflag:$0x1] =	stream.indirect_vreg.gather [hbm4b:s5+s3], $0x80, v4, vm0, $0xb8;
	[tilespmem:$0xC080] =	vst v63  }
0x4b: {  	_ = 	snop  }
0x4c: {  	[tilespmem:s22], [sflag:$0x1] =	stream.indirect_vreg.gather [hbm4b:s1+s3], $0x80, v3, vm0, $0xb8;
	[tilespmem:$0xC080] =	vst v63  }
0x4d: {  	_ = 	snop  }
0x4e: {  	[tilespmem:s23], [sflag:$0x1] =	stream.indirect_vreg.gather [hbm4b:s4+s3], $0x80, v3, vm0, $0xb8;
	[tilespmem:$0xC080] =	vst v63  }
0x4f: {  	_ = 	snop  }
0x50: {  	[tilespmem:s24], [sflag:$0x1] =	stream.indirect_vreg.gather [hbm4b:s5+s3], $0x80, v3, vm0, $0xb8;
	[tilespmem:$0xC080] =	vst v63  }
0x51: {  	v3 =	vld [tilespmem:$0x30];
	_ =	sdelay $0x4  }
0x52: {  	v63 =	vshrl.u32 v3, $0x3  }
0x53: {  	v4 =	vmul.u32 $0x30, v63  }
0x54: {  	v3 =	vand.u32 $0x7, v3  }
0x55: {  	v3 =	vor.u32 v3, v4  }
0x56: {  	v4 =	vperm.xlane v3, v0;
	_ =	sdelay $0x1  }
0x57: {  	v4 =	vadd.s32 v1, v4;
	_ =	sdelay $0x3  }
0x58: {  	v3 =	vperm.xlane v3, v2  }
0x59: {  	[tilespmem:s25], [sflag:$0x1] =	stream.indirect_vreg.gather [hbm4b:s1+s3], $0x80, v4, vm0, $0xb8;
	[tilespmem:$0xC080] =	vst v63  }
0x5a: {  	v3 =	vadd.s32 v1, v3  }
0x5b: {  	[tilespmem:s26], [sflag:$0x1] =	stream.indirect_vreg.gather [hbm4b:s4+s3], $0x80, v4, vm0, $0xb8;
	[tilespmem:$0xC080] =	vst v63  }
0x5c: {  	_ = 	snop  }
0x5d: {  	[tilespmem:s28], [sflag:$0x1] =	stream.indirect_vreg.gather [hbm4b:s5+s3], $0x80, v4, vm0, $0xb8;
	[tilespmem:$0xC080] =	vst v63  }
0x5e: {  	_ = 	snop  }
0x5f: {  	[tilespmem:s29], [sflag:$0x1] =	stream.indirect_vreg.gather [hbm4b:s1+s3], $0x80, v3, vm0, $0xb8;
	[tilespmem:$0xC080] =	vst v63  }
0x60: {  	_ = 	snop  }
0x61: {  	[tilespmem:s30], [sflag:$0x1] =	stream.indirect_vreg.gather [hbm4b:s4+s3], $0x80, v3, vm0, $0xb8;
	[tilespmem:$0xC080] =	vst v63  }
0x62: {  	_ = 	snop  }
0x63: {  	[tilespmem:s31], [sflag:$0x1] =	stream.indirect_vreg.gather [hbm4b:s5+s3], $0x80, v3, vm0, $0xb8;
	[tilespmem:$0xC080] =	vst v63  }
0x64: {  	_ =	swait.ge [sflag:s2], $0xC000  }
0x65: {  	p0 =	sne.s32 s6, $0x1;
	[sflag:s2] =	ssyncset.done $0x0  }
.Ltmp0:
0x66: {  	s0 =	rddreg [dreg:$0x5];
	[sflag:s2] =	ssyncadd.s32 $0xFFFF4000;
	(pc) =	sbr.rel @p0 .LBB2_1-.Ltmp0, $4  }
0x67: {  	[hbm4b:s0+s3] =	stream.linear.scatter [tilespmem:s8], [sflag:$0x2], $0xC000, $0x38;
	[tilespmem:$0xC080] =	vst v63  }
0x68: {  	_ =	swait.ge [sflag:s7], $0xC000  }
0x69: {  	[sflag:s7] =	ssyncset.done $0x0  }
0x6a: {  	s6 =	sadd.s32 $0xFFFFFFFF, s6;
	[sflag:s7] =	ssyncadd.s32 $0xFFFF4000  }
0x6b: {  	_ =	sfence.sel $0x180000  }
0x6c: {  	[bflag:$0x0] =	sbarrier.arrive $0xFFFF  }
0x6d: {  	_ =	strace $0x90000047  }
0x6e: {  	s0 =	stileid.u32;
	[bflag:$0x2] =	sbarrier.arrive $0xFFFF  }
0x6f: {  	p0 =	sne.s32 s0, $0x0;
	s0 =	rddreg [dreg:$0x3]  }
0x70: {  	s0 =	sadd.s32 @!p0 $0x100000, s0  }
0x71: {  	[sflag:s0] =	ssyncadd.tile.s32 @!p0 $0x1;
	_ =	shalt  }
.Lfunc_end2:
_tile_overlayer_lowered:
.L_overlay_start_2:
0x72: {  	(tag) =	ssettag $0x2  }
0x73: {  	s0 =	rddreg [dreg:$0x0];
	s2 =	stileid.u32  }
0x74: {  	s1 =	rddreg [dreg:$0x1];
	p0 =	sne.s32 s2, $0x0  }
0x75: {  	s3 =	rddreg [dreg:$0x2];
	[bflag:$0x3] =	sbarrier.arrive $0xFFFF;
	s2 =	simm.s32 @!p0 $0x1C02  }
0x76: {  	[timem:s3], [sflag:s2] =	dma.local @!p0 [hbm:s0], s1  }
0x77: {  	s0 =	simm.s32 @!p0 $0x2  }
0x78: {  	_ =	swait.ge @!p0 [sflag:s0], s1  }
0x79: {  	s1 =	ssub.s32 @!p0 $0x0, s1;
	[sflag:s0] =	ssyncset.done @!p0 $0x0  }
0x7a: {  	[sflag:s0] =	ssyncadd.s32 @!p0 s1  }
0x7b: {  	[bflag:$0x3] =	sbarrier.arrive $0xFFFF  }
0x7c: {  	_ =	shalt  }

// kernel: sc_gather_2048x768.7.cloned.1.call-start
scs
__scs_entry_jumppad:
0x0: {  	(pc) =	sbr.rel $0x88, $3  }
0x1: {  	(tag) =	ssettag $0x0;
	lr =	simm.s32 $0x1  }
0x2: {  	[smem:$0x3F88] =	sst lr;
	_ =	strace $0xD0000000  }
0x3: {  	_ = 	snop  }
0x4: {  	_ = 	snop  }
0x5: {  	_ = 	snop  }
0x6: {  	_ = 	snop  }
0x7: {  	_ = 	snop  }
__scs_overlays_trampoline_lowered:
0x8: {  	[smem:$0x3F97] =	sst s0  }
0x9: {  	[smem:$0x3F98] =	sst s1  }
0xa: {  	[smem:$0x3F99] =	sst s2  }
0xb: {  	[smem:$0x3F9A] =	sst s3  }
0xc: {  	[smem:$0x3F9B] =	sst s4  }
0xd: {  	[smem:$0x3F9C] =	sst s5  }
0xe: {  	[smem:$0x3F9D] =	sst s6  }
0xf: {  	[smem:$0x3F9E] =	sst s7  }
0x10: {  	[smem:$0x3F9F] =	sst s8  }
0x11: {  	[smem:$0x3FA0] =	sst s9;
	s0 =	simm.s32 @!p0 $0x0  }
0x12: {  	s1 =	sld [smem:$0x3F86];
	s0 =	simm.s32 @p0 $0x1  }
0x13: {  	[smem:$0x3FA1] =	sst s0;
	s0 =	simm.s32 @!p1 $0x0  }
0x14: {  	s2 =	sld [smem:$0x3F85];
	s0 =	simm.s32 @p1 $0x1  }
0x15: {  	[smem:$0x3FA2] =	sst s0;
	s0 =	simm.s32 @!p2 $0x0  }
0x16: {  	s3 =	sld [smem:$0x3FDB];
	s0 =	simm.s32 @p2 $0x1  }
0x17: {  	s4 =	simm.s32 $0x1BF5;
	[smem:$0x3FA4] =	sst s0  }
0x18: {  	s0 =	sld [smem:$0x3F87];
	_ =	swait.ge [sflag:s4], $0x0  }
0x19: {  	s7 =	sld [smem:$0x3F88]  }
0x1a: {  	s8 =	sadd.s32 $0xFFFFE003, lr  }
0x1b: {  	s9 =	sadd.s32 $0xFFFFFEF7, lr;
	s5 =	simm.s32 $0xFFFFFFFF;
	p2 =	slt.u32 s8, $0xFFFFF086  }
0x1c: {  	p1 =	slt.u32 s9, $0xF7A;
	s5 =	simm.s32 @!p2 $0x0  }
0x1d: {  	s5 =	simm.s32 @p1 $0x1;
	p0 =	seq.s32 s7, s2  }
0x1e: {  	s7 =	smul.u32 @!p0 $0xF7A, s2;
	p2 =	seq.s32 @!p0 s5, $0x0  }
0x1f: {  	s9 =	smul.u32 $0xF7A, s1;
	s8 =	simm.s32 @!p0 $0x1BF5;
	p2 =	por !p2, p0  }
0x20: {  	[sflag:s8] =	ssyncset.s32 @!p0 $0xFFFFF086;
	s6 =	sadd.s32 @!p0 s3, s7;
	s7 =	simm.s32 @!p0 $0x108  }
0x21: {  	s3 =	sadd.s32 s3, s9;
	s6 =	sadd.s32 @!p0 $0x88, s6;
	s7 =	simm.s32 @p2 $0x1082  }
0x22: {  	[simem:s7], [sflag:s8] =	dma.local @!p0 [hbm:s6], $0xF7A  }
0x23: {  	s9 =	sor.u32 $0xD0000000, s2;
	s6 =	simm.s32 $0x108;
	_ =	swait.ge @!p0 [sflag:s8], $0x0  }
0x24: {  	s3 =	sadd.s32 $0x88, s3;
	s6 =	simm.s32 @!p1 $0x1082;
	[sflag:s4] =	ssyncset.s32 $0xFFFFF086  }
0x25: {  	[simem:s6], [sflag:s4] =	dma.local [hbm:s3], $0xF7A  }
0x26: {  	[smem:$0x3F88] =	sst s1;
	(tag) =	ssettag s2;
	_ =	strace s9  }
0x27: {  	s1 =	sld [smem:$0x3F98]  }
0x28: {  	s2 =	sld [smem:$0x3F99]  }
0x29: {  	s4 =	sld [smem:$0x3F9B]  }
0x2a: {  	p0 =	seq.s32 s5, $0x0;
	s5 =	sld [smem:$0x3F9C]  }
0x2b: {  	s6 =	sld [smem:$0x3F9D]  }
0x2c: {  	s7 =	sld [smem:$0x3F9E]  }
0x2d: {  	s3 =	simm.s32 $0x108;
	s8 =	sld [smem:$0x3F9F]  }
0x2e: {  	s3 =	simm.s32 @!p0 $0x1082;
	s9 =	sld [smem:$0x3FA0]  }
0x2f: {  	lr =	sadd.s32 s0, s3;
	s0 =	sld [smem:$0x3F97]  }
0x30: {  	s3 =	sld [smem:$0x3F9A]  }
0x31: {  	[smem:$0x3FA3] =	sst s10  }
0x32: {  	s10 =	sld [smem:$0x3FA1];
	_ =	sdelay $0x3  }
0x33: {  	p0 =	seq.s32 s10, $0x1;
	s10 =	sld [smem:$0x3FA3];
	_ =	sdelay $0x3  }
0x34: {  	[smem:$0x3FA3] =	sst s10  }
0x35: {  	s10 =	sld [smem:$0x3FA2];
	_ =	sdelay $0x3  }
0x36: {  	p1 =	seq.s32 s10, $0x1;
	s10 =	sld [smem:$0x3FA3];
	_ =	sdelay $0x3  }
0x37: {  	[smem:$0x3FA3] =	sst s10  }
0x38: {  	s10 =	sld [smem:$0x3FA4]  }
0x39: {  	_ = 	snop;
	(pc) =	sbr.ind lr, $3  }
0x3a: {  	_ = 	snop  }
0x3b: {  	_ = 	snop  }
0x3c: {  	p2 =	seq.s32 s10, $0x1;
	s10 =	sld [smem:$0x3FA3]  }
0x3d: {  	_ =	shalt  }
0x3e: {  	_ =	shalt  }
0x3f: {  	_ =	shalt  }
0x40: {  	_ =	shalt  }
0x41: {  	_ =	shalt  }
0x42: {  	_ =	shalt  }
0x43: {  	_ =	shalt  }
0x44: {  	_ =	shalt  }
0x45: {  	_ =	shalt  }
0x46: {  	_ =	shalt  }
0x47: {  	_ =	shalt  }
0x48: {  	_ =	shalt  }
0x49: {  	_ =	shalt  }
0x4a: {  	_ =	shalt  }
0x4b: {  	_ =	shalt  }
0x4c: {  	_ =	shalt  }
0x4d: {  	_ =	shalt  }
0x4e: {  	_ =	shalt  }
0x4f: {  	_ =	shalt  }
0x50: {  	_ =	shalt  }
0x51: {  	_ =	shalt  }
0x52: {  	_ =	shalt  }
0x53: {  	_ =	shalt  }
0x54: {  	_ =	shalt  }
0x55: {  	_ =	shalt  }
0x56: {  	_ =	shalt  }
0x57: {  	_ =	shalt  }
0x58: {  	_ =	shalt  }
0x59: {  	_ =	shalt  }
0x5a: {  	_ =	shalt  }
0x5b: {  	_ =	shalt  }
0x5c: {  	_ =	shalt  }
0x5d: {  	_ =	shalt  }
0x5e: {  	_ =	shalt  }
0x5f: {  	_ =	shalt  }
0x60: {  	_ =	shalt  }
0x61: {  	_ =	shalt  }
0x62: {  	_ =	shalt  }
0x63: {  	_ =	shalt  }
0x64: {  	_ =	shalt  }
0x65: {  	_ =	shalt  }
0x66: {  	_ =	shalt  }
0x67: {  	_ =	shalt  }
0x68: {  	_ =	shalt  }
0x69: {  	_ =	shalt  }
0x6a: {  	_ =	shalt  }
0x6b: {  	_ =	shalt  }
0x6c: {  	_ =	shalt  }
0x6d: {  	_ =	shalt  }
0x6e: {  	_ =	shalt  }
0x6f: {  	_ =	shalt  }
0x70: {  	_ =	shalt  }
0x71: {  	_ =	shalt  }
0x72: {  	_ =	shalt  }
0x73: {  	_ =	shalt  }
0x74: {  	_ =	shalt  }
0x75: {  	_ =	shalt  }
0x76: {  	_ =	shalt  }
0x77: {  	_ =	shalt  }
0x78: {  	_ =	shalt  }
0x79: {  	_ =	shalt  }
0x7a: {  	_ =	shalt  }
0x7b: {  	_ =	shalt  }
0x7c: {  	_ =	shalt  }
0x7d: {  	_ =	shalt  }
0x7e: {  	_ =	shalt  }
0x7f: {  	_ =	shalt  }
0x80: {  	_ =	shalt  }
0x81: {  	_ =	shalt  }
0x82: {  	_ =	shalt  }
0x83: {  	_ =	shalt  }
0x84: {  	_ =	shalt  }
0x85: {  	_ =	shalt  }
0x86: {  	_ =	shalt  }
0x87: {  	_ =	shalt  }
.Lfunc_end0:
.L_simem_size_0:
called_computation.3_lowered:
.L_overlay_start_0:
0x88: {  	s2 =	sld [smem:$0x3FD9]  }
0x89: {  	s3 =	sld [smem:$0x3FFE];
	_ =	sdelay $0x1  }
0x8a: {  	s1 =	srdreg.scid  }
0x8b: {  	s0 =	sand.u32 $0x1, s1  }
0x8c: {  	s14 =	sshll.u32 s0, $0xA;
	s2 =	sadd.s32 s3, s2  }
0x8d: {  	s2 =	sadd.s32 s2, s14  }
0x8e: {  	[smem:$0x3FAF] =	sst s2  }
0x8f: {  	_ = 	snop  }
0x90: {  	s2 =	sld [smem:$0x3FD0];
	_ =	sdelay $0x2  }
0x91: {  	s15 =	simm.s32 $0xA;
	s4 =	simm.s32 $0x10  }
0x92: {  	[smem:s4], [sflag:s15] =	dma.local [hbm:s2], $0x1  }
0x93: {  	_ =	swait.eq [sflag:s15], $0x1  }
0x94: {  	[sflag:s15] =	ssyncset.done $0x0  }
0x95: {  	[sflag:s15] =	ssyncadd.s32 $0xFFFFFFFF  }
0x96: {  	s16 =	sld [smem:$0x10];
	(tm) =	ssettm $0x1  }
0x97: {  	s17 =	sld [smem:$0x3FFB];
	_ =	sdelay $0x3  }
0x98: {  	_ =	strace s17  }
0x99: {  	s3 =	sld [smem:$0x3FFC];
	_ =	sdelay $0x3  }
0x9a: {  	_ =	strace s3  }
0x9b: {  	s3 =	sld [smem:$0x3FFD];
	_ =	sdelay $0x3  }
0x9c: {  	_ =	strace s3  }
0x9d: {  	_ =	strace $0x8FFFFFFF  }
0x9e: {  	s18 =	sld [smem:$0x3FDB];
	_ =	sdelay $0x1  }
0x9f: {  	s19 =	simm.s32 $_scs_section_size  }
0xa0: {  	s5 =	simm.s32 $_size__tile_overlayer_lowered;
	s6 =	simm.s32 $_tile_overlayer_lowered  }
0xa1: {  	s22 =	simm.s32 $0x1BFF;
	s21 =	sshll.u32 s6, $0x1;
	s3 =	sadd.s32 s19, s18  }
0xa2: {  	s7 =	simm.s32 $0x0;
	s20 =	sshll.u32 s5, $0x1;
	s5 =	sadd.s32 s21, s3  }
0xa3: {  	[timem:s7], [sflag:s22] =	dma.local [hbm:s5], s20  }
0xa4: {  	_ =	swait.ge [sflag:s22], s20  }
0xa5: {  	s4 =	ssub.s32 $0x0, s20;
	[sflag:s22] =	ssyncset.done $0x0  }
0xa6: {  	[sflag:s22] =	ssyncadd.s32 s4;
	_ =	sdelay $0x1  }
0xa7: {  	s23 =	simm.s32 $0x1B8B  }
0xa8: {  	_ =	swait.ge [sflag:s23], $0x1  }
0xa9: {  	[sflag:s23] =	ssyncset.done $0x0  }
0xaa: {  	s25 =	simm.s32 $0x1B8E;
	s24 =	sld [smem:$0x3FFE];
	[sflag:s23] =	ssyncadd.s32 $0xFFFFFFFF  }
0xab: {  	s26 =	simm.s32 $execute0_lowered;
	[smem:$0x3FD2] =	sst s25  }
0xac: {  	s5 =	sshll.u32 s26, $0x1;
	_ =	strace $0x8000004F;
	[dreg:$0x1] =	wrdreg $0xFFFFFFFF  }
0xad: {  	s28 =	simm.s32 $_size_execute0_lowered;
	s3 =	sadd.s32 s3, s5;
	[dreg:$0x0] =	wrdreg $0x0  }
0xae: {  	s5 =	sshll.u32 s28, $0x1;
	[dreg:$0x2] =	wrdreg s3  }
0xaf: {  	[dreg:$0x3] =	wrdreg s5  }
0xb0: {  	[dreg:$0x4] =	wrdreg $0xC0  }
0xb1: {  	_ =	task [dreg:s7], $0x5FFFF  }
0xb2: {  	[dreg:$0x1] =	wrdreg $0xFFFFFFFF  }
0xb3: {  	[dreg:$0x0] =	wrdreg $0x60  }
0xb4: {  	[dreg:$0x2] =	wrdreg s24  }
0xb5: {  	[dreg:$0x3] =	wrdreg s16  }
0xb6: {  	[dreg:$0x4] =	wrdreg $0x9  }
0xb7: {  	_ =	task.clear_ibuf [dreg:s7], $0x5FFFF;
	_ =	strace $0x9000004F  }
0xb8: {  	s29 =	simm.s32 $0x9;
	_ =	strace $0x80000051  }
0xb9: {  	_ =	swait.ge [sflag:s29], $0x1  }
0xba: {  	[sflag:s29] =	ssyncadd.s32 $0xFFFFFFFF  }
0xbb: {  	_ =	strace $0x90000051  }
0xbc: {  	_ =	sfence  }
0xbd: {  	s30 =	sld [smem:$0x0];
	_ =	sdelay $0x2  }
0xbe: {  	s31 =	sshll.u32 s1, $0xD;
	s1 =	sshrl.u32 s1, $0x2  }
0xbf: {  	s3 =	sand.u32 $0x4000, s31;
	s1 =	sadd.s32 s1, s30  }
0xc0: {  	s0 =	sor.u32 s3, s0;
	s1 =	sshll.u32 s1, $0x11  }
0xc1: {  	s0 =	sor.u32 s1, s0  }
0xc2: {  	s0 =	sadd.s32 $0x8F2B, s0  }
0xc3: {  	[sflag:s0] =	ssyncadd.remote.s32 $0x1  }
0xc4: {  	_ =	sfence.sel $0xFFFF  }
0xc5: {  	[dreg:$0x0] =	wrdreg $0xFFFFFFFF;
	(pc) =	sbr.abs _section_cstart, $3  }
0xc6: {  	[dreg:$0x1] =	wrdreg $0xFFFFFFFF  }
0xc7: {  	_ =	task.clear_ibuf [dreg:s7], $0x2FFFF;
	_ =	strace $0x9FFFFFFF  }
0xc8: {  	(tm) =	ssettm $0x7FFFFFFF  }
0xc9: {  	_ =	shalt  }
tec
execute0_lowered:
.L_overlay_start_1:
0x0: {  	(tag) =	ssettag $0x1  }
0x1: {  	s0 =	rddreg [dreg:$0x0]  }
0x2: {  	s5 =	rddreg [dreg:$0x1];
	s3 =	srdreg.scid  }
0x3: {  	s2 =	simm.s32 $0x0;
	s1 =	stileid.u32;
	s26 =	simm.s32 $0x880  }
0x4: {  	s10 =	simm.s32 $0x1880;
	s11 =	simm.s32 $0x2080;
	s12 =	simm.s32 $0x2880  }
0x5: {  	s13 =	simm.s32 $0x3080;
	s14 =	simm.s32 $0x3880;
	s15 =	simm.s32 $0x4080  }
0x6: {  	s16 =	simm.s32 $0x4880;
	s17 =	simm.s32 $0x5080;
	s18 =	simm.s32 $0x5880  }
0x7: {  	s19 =	simm.s32 $0x6080;
	s20 =	simm.s32 $0x6880;
	s21 =	simm.s32 $0x7080  }
0x8: {  	s22 =	simm.s32 $0x7880;
	s28 =	simm.s32 $0xA080;
	s29 =	simm.s32 $0xA880  }
0x9: {  	s30 =	simm.s32 $0xB080;
	s31 =	simm.s32 $0xB880;
	s3 =	sand.u32 $0x1, s3  }
0xa: {  	[smem:$0x7FF] =	sst s2;
	s4 =	sshll.u32 s1, $0x4;
	s6 =	sshll.u32 s3, $0x3  }
0xb: {  	_ =	strace $0x80000050;
	s23 =	ssub.s32 $0x2, s3;
	s3 =	sadd.s32 $0x98000, s0  }
0xc: {  	[dreg:$0x5] =	wrdreg s26;
	s26 =	simm.s32 $0x9880;
	s4 =	sor.u32 s6, s4  }
0xd: {  	s8 =	sshrl.u32 s23, $0x1;
	s7 =	sadd.s32 s4, s0;
	s9 =	smul.u32 $0x300, s4  }
0xe: {  	s6 =	ssub.s32 s23, s8;
	s4 =	sadd.s32 $0x98100, s0;
	s8 =	simm.s32 $0x80  }
0xf: {  	s23 =	simm.s32 $0x8080;
	s24 =	sadd.s32 $0x4A00, s7;
	s6 =	smax.u32 s6, $0x1  }
0x10: {  	v2 =	vlaneseq.u32;
	s7 =	simm.s32 $0x2;
	[dreg:$0x3] =	wrdreg s24;
	s25 =	sadd.s32 s5, s9  }
0x11: {  	vm0 =	vmmov $0xffff;
	v1 =	vshrl.u32 v2, $0x3;
	s5 =	sadd.s32 $0x98200, s0;
	s9 =	simm.s32 $0x1080;
	s24 =	simm.s32 $0x8880  }
0x12: {  	v0 =	vand.u32 $0x7, v2;
	v2 =	vor.u32 $0x8, v2;
	v1 =	vmul.u32 $0x8, v1;
	s0 =	simm.s32 $0x1;
	[dreg:$0x4] =	wrdreg s25;
	s25 =	simm.s32 $0x9080  }
.LBB2_1:
0x13: {  	s1 =	rddreg [dreg:$0x3]  }
0x14: {  	[tilespmem:s2], [sflag:$0x2] =	stream.linear.gather [hbm4b:s1+s2], $0x40, $0x38;
	[tilespmem:$0xC080] =	vst v63  }
0x15: {  	_ =	swait.ge [sflag:s7], $0x40  }
0x16: {  	[sflag:s7] =	ssyncset.done $0x0  }
0x17: {  	[sflag:s7] =	ssyncadd.s32 $0xFFFFFFC0  }
0x18: {  	v3 =	vld [tilespmem:$0x0];
	_ =	sdelay $0x4  }
0x19: {  	v4 =	vshrl.u32 v3, $0x3  }
0x1a: {  	v4 =	vmul.u32 $0x30, v4  }
0x1b: {  	v3 =	vand.u32 $0x7, v3  }
0x1c: {  	v3 =	vor.u32 v3, v4  }
0x1d: {  	v4 =	vperm.xlane v3, v0;
	_ =	sdelay $0x1  }
0x1e: {  	v4 =	vadd.s32 v1, v4;
	_ =	sdelay $0x3  }
0x1f: {  	v3 =	vperm.xlane v3, v2  }
0x20: {  	[tilespmem:s8], [sflag:$0x1] =	stream.indirect_vreg.gather [hbm4b:s3+s2], $0x80, v4, vm0, $0xb8;
	[tilespmem:$0xC080] =	vst v63  }
0x21: {  	s1 =	rddreg [dreg:$0x5];
	v3 =	vadd.s32 v1, v3  }
0x22: {  	[tilespmem:s1], [sflag:$0x1] =	stream.indirect_vreg.gather [hbm4b:s4+s2], $0x80, v4, vm0, $0xb8;
	[tilespmem:$0xC080] =	vst v63  }
0x23: {  	_ = 	snop  }
0x24: {  	[tilespmem:s9], [sflag:$0x1] =	stream.indirect_vreg.gather [hbm4b:s5+s2], $0x80, v4, vm0, $0xb8;
	[tilespmem:$0xC080] =	vst v63  }
0x25: {  	_ = 	snop  }
0x26: {  	[tilespmem:s10], [sflag:$0x1] =	stream.indirect_vreg.gather [hbm4b:s3+s2], $0x80, v3, vm0, $0xb8;
	[tilespmem:$0xC080] =	vst v63  }
0x27: {  	_ = 	snop  }
0x28: {  	[tilespmem:s11], [sflag:$0x1] =	stream.indirect_vreg.gather [hbm4b:s4+s2], $0x80, v3, vm0, $0xb8;
	[tilespmem:$0xC080] =	vst v63  }
0x29: {  	_ = 	snop  }
0x2a: {  	[tilespmem:s12], [sflag:$0x1] =	stream.indirect_vreg.gather [hbm4b:s5+s2], $0x80, v3, vm0, $0xb8;
	[tilespmem:$0xC080] =	vst v63  }
0x2b: {  	v3 =	vld [tilespmem:$0x10];
	_ =	sdelay $0x4  }
0x2c: {  	v61 =	vshrl.u32 v3, $0x3  }
0x2d: {  	v4 =	vmul.u32 $0x30, v61  }
0x2e: {  	v3 =	vand.u32 $0x7, v3  }
0x2f: {  	v3 =	vor.u32 v3, v4  }
0x30: {  	v4 =	vperm.xlane v3, v0;
	_ =	sdelay $0x1  }
0x31: {  	v4 =	vadd.s32 v1, v4;
	_ =	sdelay $0x3  }
0x32: {  	v3 =	vperm.xlane v3, v2  }
0x33: {  	[tilespmem:s13], [sflag:$0x1] =	stream.indirect_vreg.gather [hbm4b:s3+s2], $0x80, v4, vm0, $0xb8;
	[tilespmem:$0xC080] =	vst v63  }
0x34: {  	v3 =	vadd.s32 v1, v3  }
0x35: {  	[tilespmem:s14], [sflag:$0x1] =	stream.indirect_vreg.gather [hbm4b:s4+s2], $0x80, v4, vm0, $0xb8;
	[tilespmem:$0xC080] =	vst v63  }
0x36: {  	_ = 	snop  }
0x37: {  	[tilespmem:s15], [sflag:$0x1] =	stream.indirect_vreg.gather [hbm4b:s5+s2], $0x80, v4, vm0, $0xb8;
	[tilespmem:$0xC080] =	vst v63  }
0x38: {  	_ = 	snop  }
0x39: {  	[tilespmem:s16], [sflag:$0x1] =	stream.indirect_vreg.gather [hbm4b:s3+s2], $0x80, v3, vm0, $0xb8;
	[tilespmem:$0xC080] =	vst v63  }
0x3a: {  	_ = 	snop  }
0x3b: {  	[tilespmem:s17], [sflag:$0x1] =	stream.indirect_vreg.gather [hbm4b:s4+s2], $0x80, v3, vm0, $0xb8;
	[tilespmem:$0xC080] =	vst v63  }
0x3c: {  	_ = 	snop  }
0x3d: {  	[tilespmem:s18], [sflag:$0x1] =	stream.indirect_vreg.gather [hbm4b:s5+s2], $0x80, v3, vm0, $0xb8;
	[tilespmem:$0xC080] =	vst v63  }
0x3e: {  	v3 =	vld [tilespmem:$0x20];
	_ =	sdelay $0x4  }
0x3f: {  	v62 =	vshrl.u32 v3, $0x3  }
0x40: {  	v4 =	vmul.u32 $0x30, v62  }
0x41: {  	v3 =	vand.u32 $0x7, v3  }
0x42: {  	v3 =	vor.u32 v3, v4  }
0x43: {  	v4 =	vperm.xlane v3, v0;
	_ =	sdelay $0x1  }
0x44: {  	v4 =	vadd.s32 v1, v4;
	_ =	sdelay $0x3  }
0x45: {  	v3 =	vperm.xlane v3, v2  }
0x46: {  	[tilespmem:s19], [sflag:$0x1] =	stream.indirect_vreg.gather [hbm4b:s3+s2], $0x80, v4, vm0, $0xb8;
	[tilespmem:$0xC080] =	vst v63  }
0x47: {  	v3 =	vadd.s32 v1, v3  }
0x48: {  	[tilespmem:s20], [sflag:$0x1] =	stream.indirect_vreg.gather [hbm4b:s4+s2], $0x80, v4, vm0, $0xb8;
	[tilespmem:$0xC080] =	vst v63  }
0x49: {  	_ = 	snop  }
0x4a: {  	[tilespmem:s21], [sflag:$0x1] =	stream.indirect_vreg.gather [hbm4b:s5+s2], $0x80, v4, vm0, $0xb8;
	[tilespmem:$0xC080] =	vst v63  }
0x4b: {  	_ = 	snop  }
0x4c: {  	[tilespmem:s22], [sflag:$0x1] =	stream.indirect_vreg.gather [hbm4b:s3+s2], $0x80, v3, vm0, $0xb8;
	[tilespmem:$0xC080] =	vst v63  }
0x4d: {  	_ = 	snop  }
0x4e: {  	[tilespmem:s23], [sflag:$0x1] =	stream.indirect_vreg.gather [hbm4b:s4+s2], $0x80, v3, vm0, $0xb8;
	[tilespmem:$0xC080] =	vst v63  }
0x4f: {  	_ = 	snop  }
0x50: {  	[tilespmem:s24], [sflag:$0x1] =	stream.indirect_vreg.gather [hbm4b:s5+s2], $0x80, v3, vm0, $0xb8;
	[tilespmem:$0xC080] =	vst v63  }
0x51: {  	v3 =	vld [tilespmem:$0x30];
	_ =	sdelay $0x4  }
0x52: {  	v63 =	vshrl.u32 v3, $0x3  }
0x53: {  	v4 =	vmul.u32 $0x30, v63  }
0x54: {  	v3 =	vand.u32 $0x7, v3  }
0x55: {  	v3 =	vor.u32 v3, v4  }
0x56: {  	v4 =	vperm.xlane v3, v0;
	_ =	sdelay $0x1  }
0x57: {  	v4 =	vadd.s32 v1, v4;
	_ =	sdelay $0x3  }
0x58: {  	v3 =	vperm.xlane v3, v2  }
0x59: {  	[tilespmem:s25], [sflag:$0x1] =	stream.indirect_vreg.gather [hbm4b:s3+s2], $0x80, v4, vm0, $0xb8;
	[tilespmem:$0xC080] =	vst v63  }
0x5a: {  	v3 =	vadd.s32 v1, v3  }
0x5b: {  	[tilespmem:s26], [sflag:$0x1] =	stream.indirect_vreg.gather [hbm4b:s4+s2], $0x80, v4, vm0, $0xb8;
	[tilespmem:$0xC080] =	vst v63  }
0x5c: {  	_ = 	snop  }
0x5d: {  	[tilespmem:s28], [sflag:$0x1] =	stream.indirect_vreg.gather [hbm4b:s5+s2], $0x80, v4, vm0, $0xb8;
	[tilespmem:$0xC080] =	vst v63  }
0x5e: {  	_ = 	snop  }
0x5f: {  	[tilespmem:s29], [sflag:$0x1] =	stream.indirect_vreg.gather [hbm4b:s3+s2], $0x80, v3, vm0, $0xb8;
	[tilespmem:$0xC080] =	vst v63  }
0x60: {  	_ = 	snop  }
0x61: {  	[tilespmem:s30], [sflag:$0x1] =	stream.indirect_vreg.gather [hbm4b:s4+s2], $0x80, v3, vm0, $0xb8;
	[tilespmem:$0xC080] =	vst v63  }
0x62: {  	_ = 	snop  }
0x63: {  	[tilespmem:s31], [sflag:$0x1] =	stream.indirect_vreg.gather [hbm4b:s5+s2], $0x80, v3, vm0, $0xb8;
	[tilespmem:$0xC080] =	vst v63  }
0x64: {  	_ =	swait.ge [sflag:s0], $0xC000  }
0x65: {  	p0 =	sne.s32 s6, $0x1;
	[sflag:s0] =	ssyncset.done $0x0  }
.Ltmp0:
0x66: {  	s1 =	rddreg [dreg:$0x4];
	[sflag:s0] =	ssyncadd.s32 $0xFFFF4000;
	(pc) =	sbr.rel @p0 .LBB2_1-.Ltmp0, $4  }
0x67: {  	[hbm4b:s1+s2] =	stream.linear.scatter [tilespmem:s8], [sflag:$0x2], $0xC000, $0x38;
	[tilespmem:$0xC080] =	vst v63  }
0x68: {  	_ =	swait.ge [sflag:s7], $0xC000  }
0x69: {  	[sflag:s7] =	ssyncset.done $0x0  }
0x6a: {  	s6 =	sadd.s32 $0xFFFFFFFF, s6;
	[sflag:s7] =	ssyncadd.s32 $0xFFFF4000  }
0x6b: {  	_ =	sfence.sel $0x180000  }
0x6c: {  	[bflag:$0x0] =	sbarrier.arrive $0xFFFF  }
0x6d: {  	_ =	strace $0x90000050  }
0x6e: {  	s0 =	stileid.u32;
	[bflag:$0x2] =	sbarrier.arrive $0xFFFF  }
0x6f: {  	p0 =	sne.s32 s0, $0x0;
	s0 =	rddreg [dreg:$0x2]  }
0x70: {  	s0 =	sadd.s32 @!p0 $0x100000, s0  }
0x71: {  	[sflag:s0] =	ssyncadd.tile.s32 @!p0 $0x1;
	_ =	shalt  }
.Lfunc_end2:
_tile_overlayer_lowered:
.L_overlay_start_2:
0x72: {  	(tag) =	ssettag $0x2  }
0x73: {  	s0 =	rddreg [dreg:$0x0];
	s2 =	stileid.u32  }
0x74: {  	s1 =	rddreg [dreg:$0x1];
	p0 =	sne.s32 s2, $0x0  }
0x75: {  	s3 =	rddreg [dreg:$0x2];
	[bflag:$0x3] =	sbarrier.arrive $0xFFFF;
	s2 =	simm.s32 @!p0 $0x1C02  }
0x76: {  	[timem:s3], [sflag:s2] =	dma.local @!p0 [hbm:s0], s1  }
0x77: {  	s0 =	simm.s32 @!p0 $0x2  }
0x78: {  	_ =	swait.ge @!p0 [sflag:s0], s1  }
0x79: {  	s1 =	ssub.s32 @!p0 $0x0, s1;
	[sflag:s0] =	ssyncset.done @!p0 $0x0  }
0x7a: {  	[sflag:s0] =	ssyncadd.s32 @!p0 s1  }
0x7b: {  	[bflag:$0x3] =	sbarrier.arrive $0xFFFF  }
0x7c: {  	_ =	shalt  }

// kernel: sc_gather_4096x768.3.cloned.1.call-start
scs
__scs_entry_jumppad:
0x0: {  	(pc) =	sbr.rel $0x88, $3  }
0x1: {  	(tag) =	ssettag $0x0;
	lr =	simm.s32 $0x1  }
0x2: {  	[smem:$0x3F88] =	sst lr;
	_ =	strace $0xD0000000  }
0x3: {  	_ = 	snop  }
0x4: {  	_ = 	snop  }
0x5: {  	_ = 	snop  }
0x6: {  	_ = 	snop  }
0x7: {  	_ = 	snop  }
__scs_overlays_trampoline_lowered:
0x8: {  	[smem:$0x3F97] =	sst s0  }
0x9: {  	[smem:$0x3F98] =	sst s1  }
0xa: {  	[smem:$0x3F99] =	sst s2  }
0xb: {  	[smem:$0x3F9A] =	sst s3  }
0xc: {  	[smem:$0x3F9B] =	sst s4  }
0xd: {  	[smem:$0x3F9C] =	sst s5  }
0xe: {  	[smem:$0x3F9D] =	sst s6  }
0xf: {  	[smem:$0x3F9E] =	sst s7  }
0x10: {  	[smem:$0x3F9F] =	sst s8  }
0x11: {  	[smem:$0x3FA0] =	sst s9;
	s0 =	simm.s32 @!p0 $0x0  }
0x12: {  	s1 =	sld [smem:$0x3F86];
	s0 =	simm.s32 @p0 $0x1  }
0x13: {  	[smem:$0x3FA1] =	sst s0;
	s0 =	simm.s32 @!p1 $0x0  }
0x14: {  	s2 =	sld [smem:$0x3F85];
	s0 =	simm.s32 @p1 $0x1  }
0x15: {  	[smem:$0x3FA2] =	sst s0;
	s0 =	simm.s32 @!p2 $0x0  }
0x16: {  	s3 =	sld [smem:$0x3FDB];
	s0 =	simm.s32 @p2 $0x1  }
0x17: {  	s4 =	simm.s32 $0x1BF5;
	[smem:$0x3FA4] =	sst s0  }
0x18: {  	s0 =	sld [smem:$0x3F87];
	_ =	swait.ge [sflag:s4], $0x0  }
0x19: {  	s7 =	sld [smem:$0x3F88]  }
0x1a: {  	s8 =	sadd.s32 $0xFFFFE003, lr  }
0x1b: {  	s9 =	sadd.s32 $0xFFFFFEF7, lr;
	s5 =	simm.s32 $0xFFFFFFFF;
	p2 =	slt.u32 s8, $0xFFFFF086  }
0x1c: {  	p1 =	slt.u32 s9, $0xF7A;
	s5 =	simm.s32 @!p2 $0x0  }
0x1d: {  	s5 =	simm.s32 @p1 $0x1;
	p0 =	seq.s32 s7, s2  }
0x1e: {  	s7 =	smul.u32 @!p0 $0xF7A, s2;
	p2 =	seq.s32 @!p0 s5, $0x0  }
0x1f: {  	s9 =	smul.u32 $0xF7A, s1;
	s8 =	simm.s32 @!p0 $0x1BF5;
	p2 =	por !p2, p0  }
0x20: {  	[sflag:s8] =	ssyncset.s32 @!p0 $0xFFFFF086;
	s6 =	sadd.s32 @!p0 s3, s7;
	s7 =	simm.s32 @!p0 $0x108  }
0x21: {  	s3 =	sadd.s32 s3, s9;
	s6 =	sadd.s32 @!p0 $0x88, s6;
	s7 =	simm.s32 @p2 $0x1082  }
0x22: {  	[simem:s7], [sflag:s8] =	dma.local @!p0 [hbm:s6], $0xF7A  }
0x23: {  	s9 =	sor.u32 $0xD0000000, s2;
	s6 =	simm.s32 $0x108;
	_ =	swait.ge @!p0 [sflag:s8], $0x0  }
0x24: {  	s3 =	sadd.s32 $0x88, s3;
	s6 =	simm.s32 @!p1 $0x1082;
	[sflag:s4] =	ssyncset.s32 $0xFFFFF086  }
0x25: {  	[simem:s6], [sflag:s4] =	dma.local [hbm:s3], $0xF7A  }
0x26: {  	[smem:$0x3F88] =	sst s1;
	(tag) =	ssettag s2;
	_ =	strace s9  }
0x27: {  	s1 =	sld [smem:$0x3F98]  }
0x28: {  	s2 =	sld [smem:$0x3F99]  }
0x29: {  	s4 =	sld [smem:$0x3F9B]  }
0x2a: {  	p0 =	seq.s32 s5, $0x0;
	s5 =	sld [smem:$0x3F9C]  }
0x2b: {  	s6 =	sld [smem:$0x3F9D]  }
0x2c: {  	s7 =	sld [smem:$0x3F9E]  }
0x2d: {  	s3 =	simm.s32 $0x108;
	s8 =	sld [smem:$0x3F9F]  }
0x2e: {  	s3 =	simm.s32 @!p0 $0x1082;
	s9 =	sld [smem:$0x3FA0]  }
0x2f: {  	lr =	sadd.s32 s0, s3;
	s0 =	sld [smem:$0x3F97]  }
0x30: {  	s3 =	sld [smem:$0x3F9A]  }
0x31: {  	[smem:$0x3FA3] =	sst s10  }
0x32: {  	s10 =	sld [smem:$0x3FA1];
	_ =	sdelay $0x3  }
0x33: {  	p0 =	seq.s32 s10, $0x1;
	s10 =	sld [smem:$0x3FA3];
	_ =	sdelay $0x3  }
0x34: {  	[smem:$0x3FA3] =	sst s10  }
0x35: {  	s10 =	sld [smem:$0x3FA2];
	_ =	sdelay $0x3  }
0x36: {  	p1 =	seq.s32 s10, $0x1;
	s10 =	sld [smem:$0x3FA3];
	_ =	sdelay $0x3  }
0x37: {  	[smem:$0x3FA3] =	sst s10  }
0x38: {  	s10 =	sld [smem:$0x3FA4]  }
0x39: {  	_ = 	snop;
	(pc) =	sbr.ind lr, $3  }
0x3a: {  	_ = 	snop  }
0x3b: {  	_ = 	snop  }
0x3c: {  	p2 =	seq.s32 s10, $0x1;
	s10 =	sld [smem:$0x3FA3]  }
0x3d: {  	_ =	shalt  }
0x3e: {  	_ =	shalt  }
0x3f: {  	_ =	shalt  }
0x40: {  	_ =	shalt  }
0x41: {  	_ =	shalt  }
0x42: {  	_ =	shalt  }
0x43: {  	_ =	shalt  }
0x44: {  	_ =	shalt  }
0x45: {  	_ =	shalt  }
0x46: {  	_ =	shalt  }
0x47: {  	_ =	shalt  }
0x48: {  	_ =	shalt  }
0x49: {  	_ =	shalt  }
0x4a: {  	_ =	shalt  }
0x4b: {  	_ =	shalt  }
0x4c: {  	_ =	shalt  }
0x4d: {  	_ =	shalt  }
0x4e: {  	_ =	shalt  }
0x4f: {  	_ =	shalt  }
0x50: {  	_ =	shalt  }
0x51: {  	_ =	shalt  }
0x52: {  	_ =	shalt  }
0x53: {  	_ =	shalt  }
0x54: {  	_ =	shalt  }
0x55: {  	_ =	shalt  }
0x56: {  	_ =	shalt  }
0x57: {  	_ =	shalt  }
0x58: {  	_ =	shalt  }
0x59: {  	_ =	shalt  }
0x5a: {  	_ =	shalt  }
0x5b: {  	_ =	shalt  }
0x5c: {  	_ =	shalt  }
0x5d: {  	_ =	shalt  }
0x5e: {  	_ =	shalt  }
0x5f: {  	_ =	shalt  }
0x60: {  	_ =	shalt  }
0x61: {  	_ =	shalt  }
0x62: {  	_ =	shalt  }
0x63: {  	_ =	shalt  }
0x64: {  	_ =	shalt  }
0x65: {  	_ =	shalt  }
0x66: {  	_ =	shalt  }
0x67: {  	_ =	shalt  }
0x68: {  	_ =	shalt  }
0x69: {  	_ =	shalt  }
0x6a: {  	_ =	shalt  }
0x6b: {  	_ =	shalt  }
0x6c: {  	_ =	shalt  }
0x6d: {  	_ =	shalt  }
0x6e: {  	_ =	shalt  }
0x6f: {  	_ =	shalt  }
0x70: {  	_ =	shalt  }
0x71: {  	_ =	shalt  }
0x72: {  	_ =	shalt  }
0x73: {  	_ =	shalt  }
0x74: {  	_ =	shalt  }
0x75: {  	_ =	shalt  }
0x76: {  	_ =	shalt  }
0x77: {  	_ =	shalt  }
0x78: {  	_ =	shalt  }
0x79: {  	_ =	shalt  }
0x7a: {  	_ =	shalt  }
0x7b: {  	_ =	shalt  }
0x7c: {  	_ =	shalt  }
0x7d: {  	_ =	shalt  }
0x7e: {  	_ =	shalt  }
0x7f: {  	_ =	shalt  }
0x80: {  	_ =	shalt  }
0x81: {  	_ =	shalt  }
0x82: {  	_ =	shalt  }
0x83: {  	_ =	shalt  }
0x84: {  	_ =	shalt  }
0x85: {  	_ =	shalt  }
0x86: {  	_ =	shalt  }
0x87: {  	_ =	shalt  }
.Lfunc_end0:
.L_simem_size_0:
called_computation.2_lowered:
.L_overlay_start_0:
0x88: {  	s2 =	sld [smem:$0x3FD9]  }
0x89: {  	s3 =	sld [smem:$0x3FFE];
	_ =	sdelay $0x1  }
0x8a: {  	s1 =	srdreg.scid  }
0x8b: {  	s0 =	sand.u32 $0x1, s1  }
0x8c: {  	s14 =	sshll.u32 s0, $0xA;
	s2 =	sadd.s32 s3, s2  }
0x8d: {  	s2 =	sadd.s32 s2, s14  }
0x8e: {  	[smem:$0x3FAF] =	sst s2  }
0x8f: {  	_ = 	snop  }
0x90: {  	s2 =	sld [smem:$0x3FD0];
	_ =	sdelay $0x2  }
0x91: {  	s15 =	simm.s32 $0xA;
	s4 =	simm.s32 $0x10  }
0x92: {  	[smem:s4], [sflag:s15] =	dma.local [hbm:s2], $0x1  }
0x93: {  	_ =	swait.eq [sflag:s15], $0x1  }
0x94: {  	[sflag:s15] =	ssyncset.done $0x0  }
0x95: {  	[sflag:s15] =	ssyncadd.s32 $0xFFFFFFFF  }
0x96: {  	s16 =	sld [smem:$0x10];
	(tm) =	ssettm $0x1  }
0x97: {  	s17 =	sld [smem:$0x3FFB];
	_ =	sdelay $0x3  }
0x98: {  	_ =	strace s17  }
0x99: {  	s3 =	sld [smem:$0x3FFC];
	_ =	sdelay $0x3  }
0x9a: {  	_ =	strace s3  }
0x9b: {  	s3 =	sld [smem:$0x3FFD];
	_ =	sdelay $0x3  }
0x9c: {  	_ =	strace s3  }
0x9d: {  	_ =	strace $0x8FFFFFFF  }
0x9e: {  	s18 =	sld [smem:$0x3FDB];
	_ =	sdelay $0x1  }
0x9f: {  	s19 =	simm.s32 $_scs_section_size  }
0xa0: {  	s5 =	simm.s32 $_size__tile_overlayer_lowered;
	s6 =	simm.s32 $_tile_overlayer_lowered  }
0xa1: {  	s22 =	simm.s32 $0x1BFF;
	s21 =	sshll.u32 s6, $0x1;
	s3 =	sadd.s32 s19, s18  }
0xa2: {  	s7 =	simm.s32 $0x0;
	s20 =	sshll.u32 s5, $0x1;
	s5 =	sadd.s32 s21, s3  }
0xa3: {  	[timem:s7], [sflag:s22] =	dma.local [hbm:s5], s20  }
0xa4: {  	_ =	swait.ge [sflag:s22], s20  }
0xa5: {  	s4 =	ssub.s32 $0x0, s20;
	[sflag:s22] =	ssyncset.done $0x0  }
0xa6: {  	[sflag:s22] =	ssyncadd.s32 s4;
	_ =	sdelay $0x1  }
0xa7: {  	s23 =	simm.s32 $0x1B8B  }
0xa8: {  	_ =	swait.ge [sflag:s23], $0x1  }
0xa9: {  	[sflag:s23] =	ssyncset.done $0x0  }
0xaa: {  	s25 =	simm.s32 $0x1B8E;
	s24 =	sld [smem:$0x3FFE];
	[sflag:s23] =	ssyncadd.s32 $0xFFFFFFFF  }
0xab: {  	s26 =	simm.s32 $execute0_lowered;
	[smem:$0x3FD2] =	sst s25  }
0xac: {  	s5 =	sshll.u32 s26, $0x1;
	_ =	strace $0x8000004C;
	[dreg:$0x1] =	wrdreg $0xFFFFFFFF  }
0xad: {  	s28 =	simm.s32 $_size_execute0_lowered;
	s3 =	sadd.s32 s3, s5;
	[dreg:$0x0] =	wrdreg $0x0  }
0xae: {  	s5 =	sshll.u32 s28, $0x1;
	[dreg:$0x2] =	wrdreg s3  }
0xaf: {  	[dreg:$0x3] =	wrdreg s5  }
0xb0: {  	[dreg:$0x4] =	wrdreg $0xC0  }
0xb1: {  	_ =	task [dreg:s7], $0x5FFFF  }
0xb2: {  	[dreg:$0x1] =	wrdreg $0xFFFFFFFF  }
0xb3: {  	[dreg:$0x0] =	wrdreg $0x60  }
0xb4: {  	[dreg:$0x2] =	wrdreg s24  }
0xb5: {  	[dreg:$0x3] =	wrdreg s16  }
0xb6: {  	[dreg:$0x4] =	wrdreg $0x9  }
0xb7: {  	_ =	task.clear_ibuf [dreg:s7], $0x5FFFF;
	_ =	strace $0x9000004C  }
0xb8: {  	s29 =	simm.s32 $0x9;
	_ =	strace $0x8000004E  }
0xb9: {  	_ =	swait.ge [sflag:s29], $0x1  }
0xba: {  	[sflag:s29] =	ssyncadd.s32 $0xFFFFFFFF  }
0xbb: {  	_ =	strace $0x9000004E  }
0xbc: {  	_ =	sfence  }
0xbd: {  	s30 =	sld [smem:$0x0];
	_ =	sdelay $0x2  }
0xbe: {  	s31 =	sshll.u32 s1, $0xD;
	s1 =	sshrl.u32 s1, $0x2  }
0xbf: {  	s3 =	sand.u32 $0x4000, s31;
	s1 =	sadd.s32 s1, s30  }
0xc0: {  	s0 =	sor.u32 s3, s0;
	s1 =	sshll.u32 s1, $0x11  }
0xc1: {  	s0 =	sor.u32 s1, s0  }
0xc2: {  	s0 =	sadd.s32 $0x8F2B, s0  }
0xc3: {  	[sflag:s0] =	ssyncadd.remote.s32 $0x1  }
0xc4: {  	_ =	sfence.sel $0xFFFF  }
0xc5: {  	[dreg:$0x0] =	wrdreg $0xFFFFFFFF;
	(pc) =	sbr.abs _section_cstart, $3  }
0xc6: {  	[dreg:$0x1] =	wrdreg $0xFFFFFFFF  }
0xc7: {  	_ =	task.clear_ibuf [dreg:s7], $0x2FFFF;
	_ =	strace $0x9FFFFFFF  }
0xc8: {  	(tm) =	ssettm $0x7FFFFFFF  }
0xc9: {  	_ =	shalt  }
tec
execute0_lowered:
.L_overlay_start_1:
0x0: {  	(tag) =	ssettag $0x1  }
0x1: {  	s1 =	srdreg.scid  }
0x2: {  	s0 =	stileid.u32;
	s1 =	sand.u32 $0x1, s1  }
0x3: {  	s5 =	rddreg [dreg:$0x0];
	s2 =	sshll.u32 s0, $0x5;
	s3 =	sshll.u32 s1, $0x4  }
0x4: {  	s4 =	rddreg [dreg:$0x1];
	s3 =	sor.u32 s3, s2;
	s2 =	simm.s32 $0x0  }
0x5: {  	s6 =	smul.u32 $0x300, s3;
	[smem:$0x7FF] =	sst s2;
	s3 =	sadd.s32 s4, s3  }
0x6: {  	s25 =	simm.s32 $0x880;
	_ =	strace $0x8000004D;
	[dreg:$0x3] =	wrdreg s3  }
0x7: {  	s26 =	simm.s32 $0x1080;
	[dreg:$0x5] =	wrdreg s25  }
0x8: {  	s0 =	simm.s32 $0x1880;
	[dreg:$0x6] =	wrdreg s26  }
0x9: {  	s4 =	simm.s32 $0x2080;
	[dreg:$0x7] =	wrdreg s0  }
0xa: {  	s7 =	simm.s32 $0x3080;
	[dreg:$0x8] =	wrdreg s4  }
0xb: {  	s8 =	simm.s32 $0x3880;
	[dreg:$0xa] =	wrdreg s7  }
0xc: {  	s9 =	simm.s32 $0x4080;
	[dreg:$0xb] =	wrdreg s8  }
0xd: {  	s10 =	simm.s32 $0x4880;
	[dreg:$0xc] =	wrdreg s9  }
0xe: {  	s11 =	simm.s32 $0x5080;
	[dreg:$0xd] =	wrdreg s10  }
0xf: {  	s12 =	simm.s32 $0x5880;
	[dreg:$0xe] =	wrdreg s11  }
0x10: {  	s13 =	simm.s32 $0x6080;
	[dreg:$0xf] =	wrdreg s12  }
0x11: {  	s14 =	simm.s32 $0x6880;
	s15 =	simm.s32 $0x7080;
	[dreg:$0x10] =	wrdreg s13  }
0x12: {  	s16 =	simm.s32 $0x7880;
	s17 =	simm.s32 $0x8080;
	[dreg:$0x11] =	wrdreg s14  }
0x13: {  	s18 =	simm.s32 $0x8880;
	s19 =	simm.s32 $0x9080;
	[dreg:$0x12] =	wrdreg s15  }
0x14: {  	s21 =	simm.s32 $0x9880;
	s22 =	simm.s32 $0xA080;
	[dreg:$0x13] =	wrdreg s16  }
0x15: {  	s23 =	simm.s32 $0xA880;
	s28 =	simm.s32 $0x16080;
	[dreg:$0x14] =	wrdreg s17  }
0x16: {  	s29 =	simm.s32 $0x16880;
	s1 =	ssub.s32 $0x2, s1;
	[dreg:$0x15] =	wrdreg s18  }
0x17: {  	s30 =	simm.s32 $0x17080;
	s20 =	sshrl.u32 s1, $0x1;
	[dreg:$0x16] =	wrdreg s19  }
0x18: {  	s31 =	simm.s32 $0x17880;
	s1 =	ssub.s32 s1, s20;
	[dreg:$0x17] =	wrdreg s21  }
0x19: {  	s20 =	simm.s32 $0x12880;
	s3 =	sadd.s32 $0x60000, s5;
	[dreg:$0x18] =	wrdreg s22  }
0x1a: {  	s4 =	sadd.s32 $0x60100, s5;
	[dreg:$0x19] =	wrdreg s23;
	s7 =	simm.s32 $0xB080  }
0x1b: {  	s25 =	simm.s32 $0xC080;
	s8 =	simm.s32 $0x80;
	s26 =	simm.s32 $0xC880  }
0x1c: {  	s10 =	simm.s32 $0xD880;
	s11 =	simm.s32 $0xE080;
	s12 =	simm.s32 $0xE880  }
0x1d: {  	s13 =	simm.s32 $0xF080;
	s14 =	simm.s32 $0xF880;
	s15 =	simm.s32 $0x10080  }
0x1e: {  	s16 =	simm.s32 $0x10880;
	s17 =	simm.s32 $0x11080;
	s18 =	simm.s32 $0x11880  }
0x1f: {  	s19 =	simm.s32 $0x12080;
	s21 =	simm.s32 $0x13080;
	s22 =	simm.s32 $0x13880  }
0x20: {  	s23 =	simm.s32 $0x14080;
	s6 =	sadd.s32 s6, s5;
	[dreg:$0x1a] =	wrdreg s7  }
0x21: {  	s5 =	sadd.s32 $0x60200, s5;
	s7 =	simm.s32 $0x2;
	[dreg:$0x1c] =	wrdreg s25  }
0x22: {  	[dreg:$0x1d] =	wrdreg s26;
	s25 =	simm.s32 $0x15080;
	s24 =	sadd.s32 $0x98000, s6  }
0x23: {  	v2 =	vlaneseq.u32;
	s26 =	simm.s32 $0x15880;
	s6 =	simm.s32 $0x2880;
	[dreg:$0x4] =	wrdreg s24  }
0x24: {  	vm0 =	vmmov $0xffff;
	v1 =	vshrl.u32 v2, $0x3;
	[dreg:$0x9] =	wrdreg s6;
	s6 =	smax.u32 s1, $0x1;
	s24 =	simm.s32 $0xB880  }
0x25: {  	v0 =	vand.u32 $0x7, v2;
	v2 =	vor.u32 $0x8, v2;
	v1 =	vmul.u32 $0x8, v1;
	s1 =	simm.s32 $0x1;
	[dreg:$0x1b] =	wrdreg s24;
	s24 =	simm.s32 $0x14880  }
.LBB2_1:
0x26: {  	s0 =	rddreg [dreg:$0x3]  }
0x27: {  	[tilespmem:s2], [sflag:$0x2] =	stream.linear.gather [hbm4b:s0+s2], $0x80, $0x38;
	[tilespmem:$0x18080] =	vst v63  }
0x28: {  	_ =	swait.ge [sflag:s7], $0x80  }
0x29: {  	[sflag:s7] =	ssyncset.done $0x0  }
0x2a: {  	[sflag:s7] =	ssyncadd.s32 $0xFFFFFF80  }
0x2b: {  	v3 =	vld [tilespmem:$0x0];
	_ =	sdelay $0x4  }
0x2c: {  	v4 =	vshrl.u32 v3, $0x3  }
0x2d: {  	v4 =	vmul.u32 $0x30, v4  }
0x2e: {  	v3 =	vand.u32 $0x7, v3  }
0x2f: {  	v3 =	vor.u32 v3, v4  }
0x30: {  	v4 =	vperm.xlane v3, v0;
	_ =	sdelay $0x1  }
0x31: {  	v4 =	vadd.s32 v1, v4;
	_ =	sdelay $0x3  }
0x32: {  	v3 =	vperm.xlane v3, v2  }
0x33: {  	[tilespmem:s8], [sflag:$0x1] =	stream.indirect_vreg.gather [hbm4b:s3+s2], $0x80, v4, vm0, $0xb8;
	[tilespmem:$0x18080] =	vst v63  }
0x34: {  	s0 =	rddreg [dreg:$0x5];
	v3 =	vadd.s32 v1, v3  }
0x35: {  	[tilespmem:s0], [sflag:$0x1] =	stream.indirect_vreg.gather [hbm4b:s4+s2], $0x80, v4, vm0, $0xb8;
	[tilespmem:$0x18080] =	vst v63  }
0x36: {  	s9 =	rddreg [dreg:$0x6]  }
0x37: {  	[tilespmem:s9], [sflag:$0x1] =	stream.indirect_vreg.gather [hbm4b:s5+s2], $0x80, v4, vm0, $0xb8;
	[tilespmem:$0x18080] =	vst v63  }
0x38: {  	s0 =	rddreg [dreg:$0x7]  }
0x39: {  	[tilespmem:s0], [sflag:$0x1] =	stream.indirect_vreg.gather [hbm4b:s3+s2], $0x80, v3, vm0, $0xb8;
	[tilespmem:$0x18080] =	vst v63  }
0x3a: {  	s9 =	rddreg [dreg:$0x8]  }
0x3b: {  	[tilespmem:s9], [sflag:$0x1] =	stream.indirect_vreg.gather [hbm4b:s4+s2], $0x80, v3, vm0, $0xb8;
	[tilespmem:$0x18080] =	vst v63  }
0x3c: {  	s0 =	rddreg [dreg:$0x9]  }
0x3d: {  	[tilespmem:s0], [sflag:$0x1] =	stream.indirect_vreg.gather [hbm4b:s5+s2], $0x80, v3, vm0, $0xb8;
	[tilespmem:$0x18080] =	vst v63  }
0x3e: {  	v3 =	vld [tilespmem:$0x10];
	_ =	sdelay $0x4  }
0x3f: {  	v57 =	vshrl.u32 v3, $0x3  }
0x40: {  	v4 =	vmul.u32 $0x30, v57  }
0x41: {  	v3 =	vand.u32 $0x7, v3  }
0x42: {  	v3 =	vor.u32 v3, v4  }
0x43: {  	v4 =	vperm.xlane v3, v0;
	_ =	sdelay $0x1  }
0x44: {  	v4 =	vadd.s32 v1, v4;
	_ =	sdelay $0x3  }
0x45: {  	s0 =	rddreg [dreg:$0xa];
	v3 =	vperm.xlane v3, v2  }
0x46: {  	[tilespmem:s0], [sflag:$0x1] =	stream.indirect_vreg.gather [hbm4b:s3+s2], $0x80, v4, vm0, $0xb8;
	[tilespmem:$0x18080] =	vst v63  }
0x47: {  	s9 =	rddreg [dreg:$0xb];
	v3 =	vadd.s32 v1, v3  }
0x48: {  	[tilespmem:s9], [sflag:$0x1] =	stream.indirect_vreg.gather [hbm4b:s4+s2], $0x80, v4, vm0, $0xb8;
	[tilespmem:$0x18080] =	vst v63  }
0x49: {  	s0 =	rddreg [dreg:$0xc]  }
0x4a: {  	[tilespmem:s0], [sflag:$0x1] =	stream.indirect_vreg.gather [hbm4b:s5+s2], $0x80, v4, vm0, $0xb8;
	[tilespmem:$0x18080] =	vst v63  }
0x4b: {  	s9 =	rddreg [dreg:$0xd]  }
0x4c: {  	[tilespmem:s9], [sflag:$0x1] =	stream.indirect_vreg.gather [hbm4b:s3+s2], $0x80, v3, vm0, $0xb8;
	[tilespmem:$0x18080] =	vst v63  }
0x4d: {  	s0 =	rddreg [dreg:$0xe]  }
0x4e: {  	[tilespmem:s0], [sflag:$0x1] =	stream.indirect_vreg.gather [hbm4b:s4+s2], $0x80, v3, vm0, $0xb8;
	[tilespmem:$0x18080] =	vst v63  }
0x4f: {  	s9 =	rddreg [dreg:$0xf]  }
0x50: {  	[tilespmem:s9], [sflag:$0x1] =	stream.indirect_vreg.gather [hbm4b:s5+s2], $0x80, v3, vm0, $0xb8;
	[tilespmem:$0x18080] =	vst v63  }
0x51: {  	v3 =	vld [tilespmem:$0x20];
	_ =	sdelay $0x4  }
0x52: {  	v58 =	vshrl.u32 v3, $0x3  }
0x53: {  	v4 =	vmul.u32 $0x30, v58  }
0x54: {  	v3 =	vand.u32 $0x7, v3  }
0x55: {  	v3 =	vor.u32 v3, v4  }
0x56: {  	v4 =	vperm.xlane v3, v0;
	_ =	sdelay $0x1  }
0x57: {  	v4 =	vadd.s32 v1, v4;
	_ =	sdelay $0x3  }
0x58: {  	s0 =	rddreg [dreg:$0x10];
	v3 =	vperm.xlane v3, v2  }
0x59: {  	[tilespmem:s0], [sflag:$0x1] =	stream.indirect_vreg.gather [hbm4b:s3+s2], $0x80, v4, vm0, $0xb8;
	[tilespmem:$0x18080] =	vst v63  }
0x5a: {  	s9 =	rddreg [dreg:$0x11];
	v3 =	vadd.s32 v1, v3  }
0x5b: {  	[tilespmem:s9], [sflag:$0x1] =	stream.indirect_vreg.gather [hbm4b:s4+s2], $0x80, v4, vm0, $0xb8;
	[tilespmem:$0x18080] =	vst v63  }
0x5c: {  	s0 =	rddreg [dreg:$0x12]  }
0x5d: {  	[tilespmem:s0], [sflag:$0x1] =	stream.indirect_vreg.gather [hbm4b:s5+s2], $0x80, v4, vm0, $0xb8;
	[tilespmem:$0x18080] =	vst v63  }
0x5e: {  	s9 =	rddreg [dreg:$0x13]  }
0x5f: {  	[tilespmem:s9], [sflag:$0x1] =	stream.indirect_vreg.gather [hbm4b:s3+s2], $0x80, v3, vm0, $0xb8;
	[tilespmem:$0x18080] =	vst v63  }
0x60: {  	s0 =	rddreg [dreg:$0x14]  }
0x61: {  	[tilespmem:s0], [sflag:$0x1] =	stream.indirect_vreg.gather [hbm4b:s4+s2], $0x80, v3, vm0, $0xb8;
	[tilespmem:$0x18080] =	vst v63  }
0x62: {  	s9 =	rddreg [dreg:$0x15]  }
0x63: {  	[tilespmem:s9], [sflag:$0x1] =	stream.indirect_vreg.gather [hbm4b:s5+s2], $0x80, v3, vm0, $0xb8;
	[tilespmem:$0x18080] =	vst v63  }
0x64: {  	v3 =	vld [tilespmem:$0x30];
	_ =	sdelay $0x4  }
0x65: {  	v59 =	vshrl.u32 v3, $0x3  }
0x66: {  	v4 =	vmul.u32 $0x30, v59  }
0x67: {  	v3 =	vand.u32 $0x7, v3  }
0x68: {  	v3 =	vor.u32 v3, v4  }
0x69: {  	v4 =	vperm.xlane v3, v0;
	_ =	sdelay $0x1  }
0x6a: {  	v4 =	vadd.s32 v1, v4;
	_ =	sdelay $0x3  }
0x6b: {  	s0 =	rddreg [dreg:$0x16];
	v3 =	vperm.xlane v3, v2  }
0x6c: {  	[tilespmem:s0], [sflag:$0x1] =	stream.indirect_vreg.gather [hbm4b:s3+s2], $0x80, v4, vm0, $0xb8;
	[tilespmem:$0x18080] =	vst v63  }
0x6d: {  	s9 =	rddreg [dreg:$0x17];
	v3 =	vadd.s32 v1, v3  }
0x6e: {  	[tilespmem:s9], [sflag:$0x1] =	stream.indirect_vreg.gather [hbm4b:s4+s2], $0x80, v4, vm0, $0xb8;
	[tilespmem:$0x18080] =	vst v63  }
0x6f: {  	s0 =	rddreg [dreg:$0x18]  }
0x70: {  	[tilespmem:s0], [sflag:$0x1] =	stream.indirect_vreg.gather [hbm4b:s5+s2], $0x80, v4, vm0, $0xb8;
	[tilespmem:$0x18080] =	vst v63  }
0x71: {  	s9 =	rddreg [dreg:$0x19]  }
0x72: {  	[tilespmem:s9], [sflag:$0x1] =	stream.indirect_vreg.gather [hbm4b:s3+s2], $0x80, v3, vm0, $0xb8;
	[tilespmem:$0x18080] =	vst v63  }
0x73: {  	s0 =	rddreg [dreg:$0x1a]  }
0x74: {  	[tilespmem:s0], [sflag:$0x1] =	stream.indirect_vreg.gather [hbm4b:s4+s2], $0x80, v3, vm0, $0xb8;
	[tilespmem:$0x18080] =	vst v63  }
0x75: {  	s9 =	rddreg [dreg:$0x1b]  }
0x76: {  	[tilespmem:s9], [sflag:$0x1] =	stream.indirect_vreg.gather [hbm4b:s5+s2], $0x80, v3, vm0, $0xb8;
	[tilespmem:$0x18080] =	vst v63  }
0x77: {  	v3 =	vld [tilespmem:$0x40];
	_ =	sdelay $0x4  }
0x78: {  	v60 =	vshrl.u32 v3, $0x3  }
0x79: {  	v4 =	vmul.u32 $0x30, v60  }
0x7a: {  	v3 =	vand.u32 $0x7, v3  }
0x7b: {  	v3 =	vor.u32 v3, v4  }
0x7c: {  	v4 =	vperm.xlane v3, v0;
	_ =	sdelay $0x1  }
0x7d: {  	v4 =	vadd.s32 v1, v4;
	_ =	sdelay $0x3  }
0x7e: {  	s0 =	rddreg [dreg:$0x1c];
	v3 =	vperm.xlane v3, v2  }
0x7f: {  	[tilespmem:s0], [sflag:$0x1] =	stream.indirect_vreg.gather [hbm4b:s3+s2], $0x80, v4, vm0, $0xb8;
	[tilespmem:$0x18080] =	vst v63  }
0x80: {  	s9 =	rddreg [dreg:$0x1d];
	v3 =	vadd.s32 v1, v3  }
0x81: {  	[tilespmem:s9], [sflag:$0x1] =	stream.indirect_vreg.gather [hbm4b:s4+s2], $0x80, v4, vm0, $0xb8;
	[tilespmem:$0x18080] =	vst v63  }
0x82: {  	s9 =	simm.s32 $0xD080  }
0x83: {  	[tilespmem:s9], [sflag:$0x1] =	stream.indirect_vreg.gather [hbm4b:s5+s2], $0x80, v4, vm0, $0xb8;
	[tilespmem:$0x18080] =	vst v63  }
0x84: {  	_ = 	snop  }
0x85: {  	[tilespmem:s10], [sflag:$0x1] =	stream.indirect_vreg.gather [hbm4b:s3+s2], $0x80, v3, vm0, $0xb8;
	[tilespmem:$0x18080] =	vst v63  }
0x86: {  	_ = 	snop  }
0x87: {  	[tilespmem:s11], [sflag:$0x1] =	stream.indirect_vreg.gather [hbm4b:s4+s2], $0x80, v3, vm0, $0xb8;
	[tilespmem:$0x18080] =	vst v63  }
0x88: {  	_ = 	snop  }
0x89: {  	[tilespmem:s12], [sflag:$0x1] =	stream.indirect_vreg.gather [hbm4b:s5+s2], $0x80, v3, vm0, $0xb8;
	[tilespmem:$0x18080] =	vst v63  }
0x8a: {  	v3 =	vld [tilespmem:$0x50];
	_ =	sdelay $0x4  }
0x8b: {  	v61 =	vshrl.u32 v3, $0x3  }
0x8c: {  	v4 =	vmul.u32 $0x30, v61  }
0x8d: {  	v3 =	vand.u32 $0x7, v3  }
0x8e: {  	v3 =	vor.u32 v3, v4  }
0x8f: {  	v4 =	vperm.xlane v3, v0;
	_ =	sdelay $0x1  }
0x90: {  	v4 =	vadd.s32 v1, v4;
	_ =	sdelay $0x3  }
0x91: {  	v3 =	vperm.xlane v3, v2  }
0x92: {  	[tilespmem:s13], [sflag:$0x1] =	stream.indirect_vreg.gather [hbm4b:s3+s2], $0x80, v4, vm0, $0xb8;
	[tilespmem:$0x18080] =	vst v63  }
0x93: {  	v3 =	vadd.s32 v1, v3  }
0x94: {  	[tilespmem:s14], [sflag:$0x1] =	stream.indirect_vreg.gather [hbm4b:s4+s2], $0x80, v4, vm0, $0xb8;
	[tilespmem:$0x18080] =	vst v63  }
0x95: {  	_ = 	snop  }
0x96: {  	[tilespmem:s15], [sflag:$0x1] =	stream.indirect_vreg.gather [hbm4b:s5+s2], $0x80, v4, vm0, $0xb8;
	[tilespmem:$0x18080] =	vst v63  }
0x97: {  	_ = 	snop  }
0x98: {  	[tilespmem:s16], [sflag:$0x1] =	stream.indirect_vreg.gather [hbm4b:s3+s2], $0x80, v3, vm0, $0xb8;
	[tilespmem:$0x18080] =	vst v63  }
0x99: {  	_ = 	snop  }
0x9a: {  	[tilespmem:s17], [sflag:$0x1] =	stream.indirect_vreg.gather [hbm4b:s4+s2], $0x80, v3, vm0, $0xb8;
	[tilespmem:$0x18080] =	vst v63  }
0x9b: {  	_ = 	snop  }
0x9c: {  	[tilespmem:s18], [sflag:$0x1] =	stream.indirect_vreg.gather [hbm4b:s5+s2], $0x80, v3, vm0, $0xb8;
	[tilespmem:$0x18080] =	vst v63  }
0x9d: {  	v3 =	vld [tilespmem:$0x60];
	_ =	sdelay $0x4  }
0x9e: {  	v62 =	vshrl.u32 v3, $0x3  }
0x9f: {  	v4 =	vmul.u32 $0x30, v62  }
0xa0: {  	v3 =	vand.u32 $0x7, v3  }
0xa1: {  	v3 =	vor.u32 v3, v4  }
0xa2: {  	v4 =	vperm.xlane v3, v0;
	_ =	sdelay $0x1  }
0xa3: {  	v4 =	vadd.s32 v1, v4;
	_ =	sdelay $0x3  }
0xa4: {  	v3 =	vperm.xlane v3, v2  }
0xa5: {  	[tilespmem:s19], [sflag:$0x1] =	stream.indirect_vreg.gather [hbm4b:s3+s2], $0x80, v4, vm0, $0xb8;
	[tilespmem:$0x18080] =	vst v63  }
0xa6: {  	v3 =	vadd.s32 v1, v3  }
0xa7: {  	[tilespmem:s20], [sflag:$0x1] =	stream.indirect_vreg.gather [hbm4b:s4+s2], $0x80, v4, vm0, $0xb8;
	[tilespmem:$0x18080] =	vst v63  }
0xa8: {  	_ = 	snop  }
0xa9: {  	[tilespmem:s21], [sflag:$0x1] =	stream.indirect_vreg.gather [hbm4b:s5+s2], $0x80, v4, vm0, $0xb8;
	[tilespmem:$0x18080] =	vst v63  }
0xaa: {  	_ = 	snop  }
0xab: {  	[tilespmem:s22], [sflag:$0x1] =	stream.indirect_vreg.gather [hbm4b:s3+s2], $0x80, v3, vm0, $0xb8;
	[tilespmem:$0x18080] =	vst v63  }
0xac: {  	_ = 	snop  }
0xad: {  	[tilespmem:s23], [sflag:$0x1] =	stream.indirect_vreg.gather [hbm4b:s4+s2], $0x80, v3, vm0, $0xb8;
	[tilespmem:$0x18080] =	vst v63  }
0xae: {  	_ = 	snop  }
0xaf: {  	[tilespmem:s24], [sflag:$0x1] =	stream.indirect_vreg.gather [hbm4b:s5+s2], $0x80, v3, vm0, $0xb8;
	[tilespmem:$0x18080] =	vst v63  }
0xb0: {  	v3 =	vld [tilespmem:$0x70];
	_ =	sdelay $0x4  }
0xb1: {  	v63 =	vshrl.u32 v3, $0x3  }
0xb2: {  	v4 =	vmul.u32 $0x30, v63  }
0xb3: {  	v3 =	vand.u32 $0x7, v3  }
0xb4: {  	v3 =	vor.u32 v3, v4  }
0xb5: {  	v4 =	vperm.xlane v3, v0;
	_ =	sdelay $0x1  }
0xb6: {  	v4 =	vadd.s32 v1, v4;
	_ =	sdelay $0x3  }
0xb7: {  	v3 =	vperm.xlane v3, v2  }
0xb8: {  	[tilespmem:s25], [sflag:$0x1] =	stream.indirect_vreg.gather [hbm4b:s3+s2], $0x80, v4, vm0, $0xb8;
	[tilespmem:$0x18080] =	vst v63  }
0xb9: {  	v3 =	vadd.s32 v1, v3  }
0xba: {  	[tilespmem:s26], [sflag:$0x1] =	stream.indirect_vreg.gather [hbm4b:s4+s2], $0x80, v4, vm0, $0xb8;
	[tilespmem:$0x18080] =	vst v63  }
0xbb: {  	_ = 	snop  }
0xbc: {  	[tilespmem:s28], [sflag:$0x1] =	stream.indirect_vreg.gather [hbm4b:s5+s2], $0x80, v4, vm0, $0xb8;
	[tilespmem:$0x18080] =	vst v63  }
0xbd: {  	_ = 	snop  }
0xbe: {  	[tilespmem:s29], [sflag:$0x1] =	stream.indirect_vreg.gather [hbm4b:s3+s2], $0x80, v3, vm0, $0xb8;
	[tilespmem:$0x18080] =	vst v63  }
0xbf: {  	_ = 	snop  }
0xc0: {  	[tilespmem:s30], [sflag:$0x1] =	stream.indirect_vreg.gather [hbm4b:s4+s2], $0x80, v3, vm0, $0xb8;
	[tilespmem:$0x18080] =	vst v63  }
0xc1: {  	_ = 	snop  }
0xc2: {  	[tilespmem:s31], [sflag:$0x1] =	stream.indirect_vreg.gather [hbm4b:s5+s2], $0x80, v3, vm0, $0xb8;
	[tilespmem:$0x18080] =	vst v63  }
0xc3: {  	_ =	swait.ge [sflag:s1], $0x18000  }
0xc4: {  	p0 =	sne.s32 s6, $0x1;
	[sflag:s1] =	ssyncset.done $0x0  }
.Ltmp0:
0xc5: {  	s9 =	rddreg [dreg:$0x4];
	[sflag:s1] =	ssyncadd.s32 $0xFFFE8000;
	(pc) =	sbr.rel @p0 .LBB2_1-.Ltmp0, $4  }
0xc6: {  	[hbm4b:s9+s2] =	stream.linear.scatter [tilespmem:s8], [sflag:$0x2], $0x18000, $0x38;
	[tilespmem:$0x18080] =	vst v63  }
0xc7: {  	_ =	swait.ge [sflag:s7], $0x18000  }
0xc8: {  	[sflag:s7] =	ssyncset.done $0x0  }
0xc9: {  	s6 =	sadd.s32 $0xFFFFFFFF, s6;
	[sflag:s7] =	ssyncadd.s32 $0xFFFE8000  }
0xca: {  	_ =	sfence.sel $0x180000  }
0xcb: {  	[bflag:$0x0] =	sbarrier.arrive $0xFFFF  }
0xcc: {  	_ =	strace $0x9000004D  }
0xcd: {  	s0 =	stileid.u32;
	[bflag:$0x2] =	sbarrier.arrive $0xFFFF  }
0xce: {  	p0 =	sne.s32 s0, $0x0;
	s0 =	rddreg [dreg:$0x2]  }
0xcf: {  	s0 =	sadd.s32 @!p0 $0x100000, s0  }
0xd0: {  	[sflag:s0] =	ssyncadd.tile.s32 @!p0 $0x1;
	_ =	shalt  }
.Lfunc_end2:
_tile_overlayer_lowered:
.L_overlay_start_2:
0xd1: {  	(tag) =	ssettag $0x2  }
0xd2: {  	s0 =	rddreg [dreg:$0x0];
	s2 =	stileid.u32  }
0xd3: {  	s1 =	rddreg [dreg:$0x1];
	p0 =	sne.s32 s2, $0x0  }
0xd4: {  	s3 =	rddreg [dreg:$0x2];
	[bflag:$0x3] =	sbarrier.arrive $0xFFFF;
	s2 =	simm.s32 @!p0 $0x1C02  }
0xd5: {  	[timem:s3], [sflag:s2] =	dma.local @!p0 [hbm:s0], s1  }
0xd6: {  	s0 =	simm.s32 @!p0 $0x2  }
0xd7: {  	_ =	swait.ge @!p0 [sflag:s0], s1  }
0xd8: {  	s1 =	ssub.s32 @!p0 $0x0, s1;
	[sflag:s0] =	ssyncset.done @!p0 $0x0  }
0xd9: {  	[sflag:s0] =	ssyncadd.s32 @!p0 s1  }
0xda: {  	[bflag:$0x3] =	sbarrier.arrive $0xFFFF  }
0xdb: {  	_ =	shalt  }

// kernel: sc_inv_scatter.3.cloned.1.call-start
scs
__scs_entry_jumppad:
0x0: {  	(pc) =	sbr.rel $0x88, $3  }
0x1: {  	(tag) =	ssettag $0x0;
	lr =	simm.s32 $0x1  }
0x2: {  	[smem:$0x3F88] =	sst lr;
	_ =	strace $0xD0000000  }
0x3: {  	_ = 	snop  }
0x4: {  	_ = 	snop  }
0x5: {  	_ = 	snop  }
0x6: {  	_ = 	snop  }
0x7: {  	_ = 	snop  }
__scs_overlays_trampoline_lowered:
0x8: {  	[smem:$0x3F97] =	sst s0  }
0x9: {  	[smem:$0x3F98] =	sst s1  }
0xa: {  	[smem:$0x3F99] =	sst s2  }
0xb: {  	[smem:$0x3F9A] =	sst s3  }
0xc: {  	[smem:$0x3F9B] =	sst s4  }
0xd: {  	[smem:$0x3F9C] =	sst s5  }
0xe: {  	[smem:$0x3F9D] =	sst s6  }
0xf: {  	[smem:$0x3F9E] =	sst s7  }
0x10: {  	[smem:$0x3F9F] =	sst s8  }
0x11: {  	[smem:$0x3FA0] =	sst s9;
	s0 =	simm.s32 @!p0 $0x0  }
0x12: {  	s1 =	sld [smem:$0x3F86];
	s0 =	simm.s32 @p0 $0x1  }
0x13: {  	[smem:$0x3FA1] =	sst s0;
	s0 =	simm.s32 @!p1 $0x0  }
0x14: {  	s2 =	sld [smem:$0x3F85];
	s0 =	simm.s32 @p1 $0x1  }
0x15: {  	[smem:$0x3FA2] =	sst s0;
	s0 =	simm.s32 @!p2 $0x0  }
0x16: {  	s3 =	sld [smem:$0x3FDB];
	s0 =	simm.s32 @p2 $0x1  }
0x17: {  	s4 =	simm.s32 $0x1BF5;
	[smem:$0x3FA4] =	sst s0  }
0x18: {  	s0 =	sld [smem:$0x3F87];
	_ =	swait.ge [sflag:s4], $0x0  }
0x19: {  	s7 =	sld [smem:$0x3F88]  }
0x1a: {  	s8 =	sadd.s32 $0xFFFFE003, lr  }
0x1b: {  	s9 =	sadd.s32 $0xFFFFFEF7, lr;
	s5 =	simm.s32 $0xFFFFFFFF;
	p2 =	slt.u32 s8, $0xFFFFF086  }
0x1c: {  	p1 =	slt.u32 s9, $0xF7A;
	s5 =	simm.s32 @!p2 $0x0  }
0x1d: {  	s5 =	simm.s32 @p1 $0x1;
	p0 =	seq.s32 s7, s2  }
0x1e: {  	s7 =	smul.u32 @!p0 $0xF7A, s2;
	p2 =	seq.s32 @!p0 s5, $0x0  }
0x1f: {  	s9 =	smul.u32 $0xF7A, s1;
	s8 =	simm.s32 @!p0 $0x1BF5;
	p2 =	por !p2, p0  }
0x20: {  	[sflag:s8] =	ssyncset.s32 @!p0 $0xFFFFF086;
	s6 =	sadd.s32 @!p0 s3, s7;
	s7 =	simm.s32 @!p0 $0x108  }
0x21: {  	s3 =	sadd.s32 s3, s9;
	s6 =	sadd.s32 @!p0 $0x88, s6;
	s7 =	simm.s32 @p2 $0x1082  }
0x22: {  	[simem:s7], [sflag:s8] =	dma.local @!p0 [hbm:s6], $0xF7A  }
0x23: {  	s9 =	sor.u32 $0xD0000000, s2;
	s6 =	simm.s32 $0x108;
	_ =	swait.ge @!p0 [sflag:s8], $0x0  }
0x24: {  	s3 =	sadd.s32 $0x88, s3;
	s6 =	simm.s32 @!p1 $0x1082;
	[sflag:s4] =	ssyncset.s32 $0xFFFFF086  }
0x25: {  	[simem:s6], [sflag:s4] =	dma.local [hbm:s3], $0xF7A  }
0x26: {  	[smem:$0x3F88] =	sst s1;
	(tag) =	ssettag s2;
	_ =	strace s9  }
0x27: {  	s1 =	sld [smem:$0x3F98]  }
0x28: {  	s2 =	sld [smem:$0x3F99]  }
0x29: {  	s4 =	sld [smem:$0x3F9B]  }
0x2a: {  	p0 =	seq.s32 s5, $0x0;
	s5 =	sld [smem:$0x3F9C]  }
0x2b: {  	s6 =	sld [smem:$0x3F9D]  }
0x2c: {  	s7 =	sld [smem:$0x3F9E]  }
0x2d: {  	s3 =	simm.s32 $0x108;
	s8 =	sld [smem:$0x3F9F]  }
0x2e: {  	s3 =	simm.s32 @!p0 $0x1082;
	s9 =	sld [smem:$0x3FA0]  }
0x2f: {  	lr =	sadd.s32 s0, s3;
	s0 =	sld [smem:$0x3F97]  }
0x30: {  	s3 =	sld [smem:$0x3F9A]  }
0x31: {  	[smem:$0x3FA3] =	sst s10  }
0x32: {  	s10 =	sld [smem:$0x3FA1];
	_ =	sdelay $0x3  }
0x33: {  	p0 =	seq.s32 s10, $0x1;
	s10 =	sld [smem:$0x3FA3];
	_ =	sdelay $0x3  }
0x34: {  	[smem:$0x3FA3] =	sst s10  }
0x35: {  	s10 =	sld [smem:$0x3FA2];
	_ =	sdelay $0x3  }
0x36: {  	p1 =	seq.s32 s10, $0x1;
	s10 =	sld [smem:$0x3FA3];
	_ =	sdelay $0x3  }
0x37: {  	[smem:$0x3FA3] =	sst s10  }
0x38: {  	s10 =	sld [smem:$0x3FA4]  }
0x39: {  	_ = 	snop;
	(pc) =	sbr.ind lr, $3  }
0x3a: {  	_ = 	snop  }
0x3b: {  	_ = 	snop  }
0x3c: {  	p2 =	seq.s32 s10, $0x1;
	s10 =	sld [smem:$0x3FA3]  }
0x3d: {  	_ =	shalt  }
0x3e: {  	_ =	shalt  }
0x3f: {  	_ =	shalt  }
0x40: {  	_ =	shalt  }
0x41: {  	_ =	shalt  }
0x42: {  	_ =	shalt  }
0x43: {  	_ =	shalt  }
0x44: {  	_ =	shalt  }
0x45: {  	_ =	shalt  }
0x46: {  	_ =	shalt  }
0x47: {  	_ =	shalt  }
0x48: {  	_ =	shalt  }
0x49: {  	_ =	shalt  }
0x4a: {  	_ =	shalt  }
0x4b: {  	_ =	shalt  }
0x4c: {  	_ =	shalt  }
0x4d: {  	_ =	shalt  }
0x4e: {  	_ =	shalt  }
0x4f: {  	_ =	shalt  }
0x50: {  	_ =	shalt  }
0x51: {  	_ =	shalt  }
0x52: {  	_ =	shalt  }
0x53: {  	_ =	shalt  }
0x54: {  	_ =	shalt  }
0x55: {  	_ =	shalt  }
0x56: {  	_ =	shalt  }
0x57: {  	_ =	shalt  }
0x58: {  	_ =	shalt  }
0x59: {  	_ =	shalt  }
0x5a: {  	_ =	shalt  }
0x5b: {  	_ =	shalt  }
0x5c: {  	_ =	shalt  }
0x5d: {  	_ =	shalt  }
0x5e: {  	_ =	shalt  }
0x5f: {  	_ =	shalt  }
0x60: {  	_ =	shalt  }
0x61: {  	_ =	shalt  }
0x62: {  	_ =	shalt  }
0x63: {  	_ =	shalt  }
0x64: {  	_ =	shalt  }
0x65: {  	_ =	shalt  }
0x66: {  	_ =	shalt  }
0x67: {  	_ =	shalt  }
0x68: {  	_ =	shalt  }
0x69: {  	_ =	shalt  }
0x6a: {  	_ =	shalt  }
0x6b: {  	_ =	shalt  }
0x6c: {  	_ =	shalt  }
0x6d: {  	_ =	shalt  }
0x6e: {  	_ =	shalt  }
0x6f: {  	_ =	shalt  }
0x70: {  	_ =	shalt  }
0x71: {  	_ =	shalt  }
0x72: {  	_ =	shalt  }
0x73: {  	_ =	shalt  }
0x74: {  	_ =	shalt  }
0x75: {  	_ =	shalt  }
0x76: {  	_ =	shalt  }
0x77: {  	_ =	shalt  }
0x78: {  	_ =	shalt  }
0x79: {  	_ =	shalt  }
0x7a: {  	_ =	shalt  }
0x7b: {  	_ =	shalt  }
0x7c: {  	_ =	shalt  }
0x7d: {  	_ =	shalt  }
0x7e: {  	_ =	shalt  }
0x7f: {  	_ =	shalt  }
0x80: {  	_ =	shalt  }
0x81: {  	_ =	shalt  }
0x82: {  	_ =	shalt  }
0x83: {  	_ =	shalt  }
0x84: {  	_ =	shalt  }
0x85: {  	_ =	shalt  }
0x86: {  	_ =	shalt  }
0x87: {  	_ =	shalt  }
.Lfunc_end0:
.L_simem_size_0:
called_computation.1_lowered:
.L_overlay_start_0:
0x88: {  	s2 =	sld [smem:$0x3FD9]  }
0x89: {  	s3 =	sld [smem:$0x3FFE];
	_ =	sdelay $0x1  }
0x8a: {  	s1 =	srdreg.scid  }
0x8b: {  	s0 =	sand.u32 $0x1, s1  }
0x8c: {  	s14 =	sshll.u32 s0, $0xA;
	s2 =	sadd.s32 s3, s2  }
0x8d: {  	s2 =	sadd.s32 s2, s14  }
0x8e: {  	[smem:$0x3FAF] =	sst s2  }
0x8f: {  	_ = 	snop  }
0x90: {  	s2 =	sld [smem:$0x3FD0];
	_ =	sdelay $0x2  }
0x91: {  	s15 =	simm.s32 $0xA;
	s4 =	simm.s32 $0x10  }
0x92: {  	[smem:s4], [sflag:s15] =	dma.local [hbm:s2], $0x1  }
0x93: {  	_ =	swait.eq [sflag:s15], $0x1  }
0x94: {  	[sflag:s15] =	ssyncset.done $0x0  }
0x95: {  	[sflag:s15] =	ssyncadd.s32 $0xFFFFFFFF  }
0x96: {  	s16 =	sld [smem:$0x10];
	(tm) =	ssettm $0x1  }
0x97: {  	s17 =	sld [smem:$0x3FFB];
	_ =	sdelay $0x3  }
0x98: {  	_ =	strace s17  }
0x99: {  	s3 =	sld [smem:$0x3FFC];
	_ =	sdelay $0x3  }
0x9a: {  	_ =	strace s3  }
0x9b: {  	s3 =	sld [smem:$0x3FFD];
	_ =	sdelay $0x3  }
0x9c: {  	_ =	strace s3  }
0x9d: {  	_ =	strace $0x8FFFFFFF  }
0x9e: {  	s18 =	sld [smem:$0x3FDB];
	_ =	sdelay $0x1  }
0x9f: {  	s19 =	simm.s32 $_scs_section_size  }
0xa0: {  	s5 =	simm.s32 $_size__tile_overlayer_lowered;
	s6 =	simm.s32 $_tile_overlayer_lowered  }
0xa1: {  	s22 =	simm.s32 $0x1BFF;
	s21 =	sshll.u32 s6, $0x1;
	s3 =	sadd.s32 s19, s18  }
0xa2: {  	s7 =	simm.s32 $0x0;
	s20 =	sshll.u32 s5, $0x1;
	s5 =	sadd.s32 s21, s3  }
0xa3: {  	[timem:s7], [sflag:s22] =	dma.local [hbm:s5], s20  }
0xa4: {  	_ =	swait.ge [sflag:s22], s20  }
0xa5: {  	s4 =	ssub.s32 $0x0, s20;
	[sflag:s22] =	ssyncset.done $0x0  }
0xa6: {  	[sflag:s22] =	ssyncadd.s32 s4;
	_ =	sdelay $0x1  }
0xa7: {  	s23 =	simm.s32 $0x1B8B  }
0xa8: {  	_ =	swait.ge [sflag:s23], $0x1  }
0xa9: {  	[sflag:s23] =	ssyncset.done $0x0  }
0xaa: {  	s25 =	simm.s32 $0x1B8E;
	s24 =	sld [smem:$0x3FFE];
	[sflag:s23] =	ssyncadd.s32 $0xFFFFFFFF  }
0xab: {  	s26 =	simm.s32 $execute0_lowered;
	[smem:$0x3FD2] =	sst s25  }
0xac: {  	s5 =	sshll.u32 s26, $0x1;
	_ =	strace $0x80000049;
	[dreg:$0x1] =	wrdreg $0xFFFFFFFF  }
0xad: {  	s28 =	simm.s32 $_size_execute0_lowered;
	s3 =	sadd.s32 s3, s5;
	[dreg:$0x0] =	wrdreg $0x0  }
0xae: {  	s5 =	sshll.u32 s28, $0x1;
	[dreg:$0x2] =	wrdreg s3  }
0xaf: {  	[dreg:$0x3] =	wrdreg s5  }
0xb0: {  	[dreg:$0x4] =	wrdreg $0xC0  }
0xb1: {  	_ =	task [dreg:s7], $0x5FFFF  }
0xb2: {  	[dreg:$0x1] =	wrdreg $0xFFFFFFFF  }
0xb3: {  	[dreg:$0x0] =	wrdreg $0x60  }
0xb4: {  	[dreg:$0x2] =	wrdreg s24  }
0xb5: {  	[dreg:$0x3] =	wrdreg s16  }
0xb6: {  	[dreg:$0x4] =	wrdreg $0x9  }
0xb7: {  	_ =	task.clear_ibuf [dreg:s7], $0x5FFFF;
	_ =	strace $0x90000049  }
0xb8: {  	s29 =	simm.s32 $0x9;
	_ =	strace $0x8000004B  }
0xb9: {  	_ =	swait.ge [sflag:s29], $0x1  }
0xba: {  	[sflag:s29] =	ssyncadd.s32 $0xFFFFFFFF  }
0xbb: {  	_ =	strace $0x9000004B  }
0xbc: {  	_ =	sfence  }
0xbd: {  	s30 =	sld [smem:$0x0];
	_ =	sdelay $0x2  }
0xbe: {  	s31 =	sshll.u32 s1, $0xD;
	s1 =	sshrl.u32 s1, $0x2  }
0xbf: {  	s3 =	sand.u32 $0x4000, s31;
	s1 =	sadd.s32 s1, s30  }
0xc0: {  	s0 =	sor.u32 s3, s0;
	s1 =	sshll.u32 s1, $0x11  }
0xc1: {  	s0 =	sor.u32 s1, s0  }
0xc2: {  	s0 =	sadd.s32 $0x8F2B, s0  }
0xc3: {  	[sflag:s0] =	ssyncadd.remote.s32 $0x1  }
0xc4: {  	_ =	sfence.sel $0xFFFF  }
0xc5: {  	[dreg:$0x0] =	wrdreg $0xFFFFFFFF;
	(pc) =	sbr.abs _section_cstart, $3  }
0xc6: {  	[dreg:$0x1] =	wrdreg $0xFFFFFFFF  }
0xc7: {  	_ =	task.clear_ibuf [dreg:s7], $0x2FFFF;
	_ =	strace $0x9FFFFFFF  }
0xc8: {  	(tm) =	ssettm $0x7FFFFFFF  }
0xc9: {  	_ =	shalt  }
tec
execute0_lowered:
.L_overlay_start_1:
0x0: {  	(tag) =	ssettag $0x1  }
0x1: {  	s0 =	srdreg.scid  }
0x2: {  	s4 =	sand.u32 $0x1, s0;
	s0 =	stileid.u32  }
0x3: {  	s5 =	sshll.u32 s0, $0x1;
	s6 =	ssub.s32 $0x0, s4  }
0x4: {  	p0 =	sne.s32 s5, s6  }
.Ltmp0:
0x5: {  	_ = 	snop;
	(pc) =	sbr.rel @p0 .LBB2_7-.Ltmp0, $4  }
0x6: {  	_ = 	snop  }
0x7: {  	s3 =	rddreg [dreg:$0x0]  }
0x8: {  	s2 =	rddreg [dreg:$0x1]  }
0x9: {  	s1 =	rddreg [dreg:$0x2];
	_ =	strace $0x8000004A  }
0xa: {  	s4 =	ssub.s32 $0x2, s4  }
0xb: {  	s3 =	sadd.s32 $0x4A00, s3;
	s5 =	sshrl.u32 s4, $0x1  }
0xc: {  	s6 =	simm.s32 $0x1;
	s7 =	simm.s32 $0x800;
	s4 =	ssub.s32 s4, s5  }
0xd: {  	v0 =	vlaneseq.u32;
	s8 =	simm.s32 $0x0;
	s5 =	simm.s32 $0x0;
	s4 =	smax.u32 s4, $0x1  }
.LBB2_2:
0xe: {  	[tilespmem:s5], [sflag:$0x1] =	stream.linear.gather [hbm4b:s3+s5], $0x800, $0x38;
	[tilespmem:$0x1800] =	vst v63  }
0xf: {  	_ =	swait.ge [sflag:s6], $0x800  }
0x10: {  	[sflag:s6] =	ssyncset.done $0x0  }
0x11: {  	s9 =	simm.s32 $0x800;
	s10 =	simm.s32 $0x0;
	[sflag:s6] =	ssyncadd.s32 $0xFFFFF800  }
.LBB2_3:
0x12: {  	p0 =	sne.s32 s10, $0xFF0  }
.Ltmp1:
0x13: {  	_ = 	snop;
	(pc) =	sbr.rel @p0 .LBB2_3-.Ltmp1, $4  }
0x14: {  	_ = 	snop  }
0x15: {  	v1 =	vor.u32 s10, v0  }
0x16: {  	v1 =	vand.u32 $0x7FF, v1  }
0x17: {  	s10 =	sadd.s32 $0x10, s10;
	[tilespmem:s9+$0x0] =	vst v1;
	s9 =	sadd.s32 $0x10, s9  }
0x18: {  	s9 =	simm.s32 $0x0  }
0x19: {  	s10 =	simm.s32 $0x10;
	s11 =	simm.s32 $0x0;
	v1 =	vld [tilespmem:s9+$0x0]  }
.LBB2_5:
0x1a: {  	p0 =	sne.s32 s10, $0x7F0;
	_ =	sdelay $0x3  }
0x1b: {  	vm0 =	vlt.s32 v1, $0x1000;
	vm1 =	vlt.s32 v1, $0xFFF  }
0x1c: {  	v1 =	vnsel vm1, $0xFFF, v1;
	_ =	sdelay $0x1  }
.Ltmp2:
0x1d: {  	(pc) =	sbr.rel @p0 .LBB2_5-.Ltmp2, $4  }
0x1e: {  	_ = 	snop  }
0x1f: {  	v2 =	vor.u32 s9, v0;
	s9 =	smov.u32 s10  }
0x20: {  	s11 =	sadd.s32 $0x10, s11;
	[tilespmem:v1+s7+$0x0] =	vst.idx.msk vm0, v2  }
0x21: {  	s10 =	sadd.s32 $0x10, s10;
	v1 =	vld [tilespmem:s11+$0x0]  }
0x22: {  	_ =	sdelay $0x3  }
0x23: {  	vm0 =	vlt.s32 v1, $0x1000;
	vm1 =	vlt.s32 v1, $0xFFF  }
0x24: {  	v1 =	vnsel vm1, $0xFFF, v1;
	_ =	sdelay $0x2  }
0x25: {  	s8 =	sadd.s32 $0x1, s8  }
0x26: {  	v2 =	vor.u32 s9, v0;
	p0 =	sne.s32 s8, s4  }
.Ltmp3:
0x27: {  	[tilespmem:v1+s7+$0x0] =	vst.idx.msk vm0, v2;
	(pc) =	sbr.rel @p0 .LBB2_2-.Ltmp3, $4  }
0x28: {  	[hbm4b:s2+s5] =	stream.linear.scatter [tilespmem:s7], [sflag:$0x1], $0x1000, $0x38;
	[tilespmem:$0x1800] =	vst v63  }
0x29: {  	_ =	swait.ge [sflag:s6], $0x1000  }
0x2a: {  	[sflag:s6] =	ssyncset.done $0x0  }
0x2b: {  	[sflag:s6] =	ssyncadd.s32 $0xFFFFF000  }
.LBB2_7:
0x2c: {  	_ =	sfence.sel $0x180000  }
0x2d: {  	[bflag:$0x0] =	sbarrier.arrive $0xFFFF  }
0x2e: {  	p0 =	sne.s32 s0, $0x0;
	_ =	strace $0x9000004A  }
0x2f: {  	s0 =	sadd.s32 @!p0 $0x100000, s1;
	[bflag:$0x2] =	sbarrier.arrive $0xFFFF  }
0x30: {  	[sflag:s0] =	ssyncadd.tile.s32 @!p0 $0x1;
	_ =	shalt  }
.Lfunc_end2:
_tile_overlayer_lowered:
.L_overlay_start_2:
0x31: {  	(tag) =	ssettag $0x2  }
0x32: {  	s0 =	rddreg [dreg:$0x0];
	s2 =	stileid.u32  }
0x33: {  	s1 =	rddreg [dreg:$0x1];
	p0 =	sne.s32 s2, $0x0  }
0x34: {  	s3 =	rddreg [dreg:$0x2];
	[bflag:$0x3] =	sbarrier.arrive $0xFFFF;
	s2 =	simm.s32 @!p0 $0x1C01  }
0x35: {  	[timem:s3], [sflag:s2] =	dma.local @!p0 [hbm:s0], s1  }
0x36: {  	s0 =	simm.s32 @!p0 $0x1  }
0x37: {  	_ =	swait.ge @!p0 [sflag:s0], s1  }
0x38: {  	s1 =	ssub.s32 @!p0 $0x0, s1;
	[sflag:s0] =	ssyncset.done @!p0 $0x0  }
0x39: {  	[sflag:s0] =	ssyncadd.s32 @!p0 s1  }
0x3a: {  	[bflag:$0x3] =	sbarrier.arrive $0xFFFF  }
0x3b: {  	_ =	shalt  }

</sc_bundles>
